<compile_context>
chip_gen: v7x
topology: tpu7x:2x2x1
jax: 0.10.2.dev20260603
libtpu: 0.0.44.dev20260713+nightly
codegen_flags: <defaults>
</compile_context>

<pallas_src>
import jax
import jax.numpy as jnp
from jax import lax
from jax.experimental import pallas as pl
from jax.experimental.pallas import tpu as pltpu
from jax.experimental.pallas import tpu_sc as plsc

_B = 4
_S = 8192
_D = 768
_NW = 32
_STRIP = _S // _NW
_CH = 16
_NCHUNK = _STRIP // _CH
_NI = _NCHUNK // 2
_LANES = 16


def _sc_add(x_hbm, emb_hbm, out_hbm, xv, ev,
            sx0, sx1, sx2, sx3, se0, se1, so0, so1, so2, so3):
    sx = [sx0, sx1, sx2, sx3]
    se = [se0, se1]
    so = [so0, so1, so2, so3]
    wid = lax.axis_index("s") * 2 + lax.axis_index("c")
    seq0 = wid * _STRIP

    def e_start(c, par):
        pltpu.async_copy(
            emb_hbm.at[pl.ds(seq0 + c * _CH, _CH)], ev.at[par], se[par]
        )

    def e_wait(par):
        pltpu.make_async_copy(
            emb_hbm.at[pl.ds(0, _CH)], ev.at[par], se[par]
        ).wait()

    def x_start(c, b, buf):
        pltpu.async_copy(
            x_hbm.at[pl.ds(b * _S + seq0 + c * _CH, _CH)],
            xv.at[buf],
            sx[buf],
        )

    def x_wait(buf):
        pltpu.make_async_copy(
            x_hbm.at[pl.ds(0, _CH)], xv.at[buf], sx[buf]
        ).wait()

    def out_start(c, b, buf):
        pltpu.async_copy(
            xv.at[buf],
            out_hbm.at[pl.ds(b * _S + seq0 + c * _CH, _CH)],
            so[buf],
        )

    def out_wait(buf):
        pltpu.make_async_copy(
            xv.at[buf], out_hbm.at[pl.ds(0, _CH)], so[buf]
        ).wait()

    def compute(buf, par):
        def row_body(r, carry):
            @plsc.parallel_loop(0, _D, _LANES, unroll=8)
            def _(col):
                sl = pl.ds(col, _LANES)
                plsc.addupdate(xv.at[buf, r, sl], ev[par, r, sl])
            return carry

        lax.fori_loop(0, _CH, row_body, 0)

    e_start(0, 0)
    x_start(0, 0, 0)

    def iter_body(i, carry):
        for par in range(2):
            c = 2 * i + par
            e_wait(par)
            if par == 0:
                e_start(c + 1, 1)
            else:
                @pl.when(i < _NI - 1)
                def _():
                    e_start(c + 1, 0)

            for b in range(4):
                nbuf = (b + 1) % 4
                if par == 0 and b < 3:
                    @pl.when(i > 0)
                    def _():
                        out_wait(nbuf)
                else:
                    out_wait(nbuf)
                if b < 3:
                    x_start(c, b + 1, nbuf)
                elif par == 0:
                    x_start(c + 1, 0, nbuf)
                else:
                    @pl.when(i < _NI - 1)
                    def _():
                        x_start(c + 1, 0, nbuf)
                x_wait(b % 4)
                compute(b % 4, par)
                out_start(c, b, b % 4)
        return carry

    lax.fori_loop(0, _NI, iter_body, 0)
    for buf in (1, 2, 3):
        out_wait(buf)


@jax.jit
def _sc_kernel(x2d, emb_table):
    mesh = plsc.VectorSubcoreMesh(core_axis_name="c", subcore_axis_name="s")
    return pl.kernel(
        _sc_add,
        out_type=jax.ShapeDtypeStruct((_B * _S, _D), jnp.float32),
        mesh=mesh,
        scratch_types=[
            pltpu.VMEM((4, _CH, _D), jnp.float32),
            pltpu.VMEM((2, _CH, _D), jnp.float32),
        ] + [pltpu.SemaphoreType.DMA] * 10,
        compiler_params=pltpu.CompilerParams(use_tc_tiling_on_sc=True),
    )(x2d, emb_table)


def kernel(x, emb_table):
    B, S, D = x.shape
    out = _sc_kernel(x.reshape(B * S, D), emb_table)
    return out.reshape(B, S, D)

# --- scband reference (transcript-rebuilt; emitter-appended) ---
"""Pipeline reference for scband-positional-encoding-3152505995499 (READ-ONLY COPY).

The authoritative reference and input builder live on the scoring server;
editing this copy changes nothing except your own understanding.
"""

import jax, jax.numpy as jnp
import numpy as np

D_MODEL = 768
MAX_LEN = 8192
BATCH = 4
SEQ_LEN = 8192

def setup_inputs(seed: int = 0) -> dict:
    key = jax.random.key(seed)
    k1, k2 = jax.random.split(key)
    x = jax.random.normal(k1, (BATCH, SEQ_LEN, D_MODEL), dtype=jnp.float32)
    # nn.Embedding default init: N(0, 1)
    emb_table = jax.random.normal(k2, (MAX_LEN, D_MODEL), dtype=jnp.float32)
    return {"x": x, "emb_table": emb_table}

def reference(x, emb_table):
    batch_size, seq_len = x.shape[0], x.shape[1]
    position_ids = jnp.arange(0, seq_len, dtype=jnp.int32)[None, :]
    position_ids = jnp.broadcast_to(position_ids, (batch_size, seq_len))
    pos_emb = jnp.take(emb_table, position_ids, axis=0)  # [B, S, d_model]
    return x + pos_emb

if __name__ == "__main__":
    import jax
    _d = setup_inputs()
    print(jax.jit(kernel)(*tuple(_d.values())))

</pallas_src>

<mosaic_0001>
#map = affine_map<(d0, d1) -> (0, 0)>
module attributes {stable_mosaic.version = 14 : i64} {
  func.func @_sc_add(%arg0: i32, %arg1: i32, %arg2: memref<32768x768xf32, #tpu.memory_space<hbm>>, %arg3: memref<8192x768xf32, #tpu.memory_space<hbm>>, %arg4: memref<32768x768xf32, #tpu.memory_space<hbm>>, %arg5: memref<4x16x768xf32, #tpu.memory_space<vmem>>, %arg6: memref<2x16x768xf32, #tpu.memory_space<vmem>>, %arg7: memref<!tpu.dma_semaphore, #tpu.memory_space<semaphore_mem>>, %arg8: memref<!tpu.dma_semaphore, #tpu.memory_space<semaphore_mem>>, %arg9: memref<!tpu.dma_semaphore, #tpu.memory_space<semaphore_mem>>, %arg10: memref<!tpu.dma_semaphore, #tpu.memory_space<semaphore_mem>>, %arg11: memref<!tpu.dma_semaphore, #tpu.memory_space<semaphore_mem>>, %arg12: memref<!tpu.dma_semaphore, #tpu.memory_space<semaphore_mem>>, %arg13: memref<!tpu.dma_semaphore, #tpu.memory_space<semaphore_mem>>, %arg14: memref<!tpu.dma_semaphore, #tpu.memory_space<semaphore_mem>>, %arg15: memref<!tpu.dma_semaphore, #tpu.memory_space<semaphore_mem>>, %arg16: memref<!tpu.dma_semaphore, #tpu.memory_space<semaphore_mem>>) attributes {dimension_semantics = [#tpu.dimension_semantics<core_parallel>, #tpu.dimension_semantics<subcore_parallel>], iteration_bounds = array<i64: 2, 16>, scalar_prefetch = 0 : i64, scratch_operands = 12 : i64, tpu.core_type = #tpu.core_type<sc_vector_subcore>, window_params = [{transform_indices = #map}, {transform_indices = #map}, {transform_indices = #map}]} {
    %mul3A = arith.constant 2 : i32
    %mul3A_0 = arith.muli %arg1, %mul3A : i32
    %add3A = arith.addi %mul3A_0, %arg0 : i32
    %mul3A_1 = arith.constant 256 : i32
    %mul3A_2 = arith.muli %add3A, %mul3A_1 : i32
    %add3A_3 = arith.constant 0 : i32
    %add3A_4 = arith.addi %mul3A_2, %add3A_3 : i32
    %dma_start3A = arith.constant 0 : i32
    %dma_start3A_5 = arith.constant 0 : i32
    %dma_start3A_6 = arith.constant 0 : i32
    %dma_start3A_7 = tpu.memref_slice %arg6[%dma_start3A, %dma_start3A_5, %dma_start3A_6] : memref<2x16x768xf32, #tpu.memory_space<vmem>> -> memref<1x16x768xf32, #tpu.memory_space<vmem>>
    %dma_start3A_8 = tpu.memref_squeeze %dma_start3A_7 : memref<1x16x768xf32, #tpu.memory_space<vmem>> -> memref<16x768xf32, #tpu.memory_space<vmem>>
    %dma_start3A_9 = arith.constant 0 : i32
    %dma_start3A_10 = tpu.memref_slice %arg3[%add3A_4, %dma_start3A_9] : memref<8192x768xf32, #tpu.memory_space<hbm>> -> memref<16x768xf32, #tpu.memory_space<hbm>>
    %dma_start3A_11 = arith.constant 0 : i32
    %dma_start3A_12 = arith.constant 0 : i32
    %dma_start3A_13 = tpu.memref_slice %arg6[%dma_start3A, %dma_start3A_11, %dma_start3A_12] : memref<2x16x768xf32, #tpu.memory_space<vmem>> -> memref<1x16x768xf32, #tpu.memory_space<vmem>>
    %dma_start3A_14 = tpu.memref_squeeze %dma_start3A_13 : memref<1x16x768xf32, #tpu.memory_space<vmem>> -> memref<16x768xf32, #tpu.memory_space<vmem>>
    %dma_start3A_15 = arith.constant 0 : i32
    %dma_start3A_16 = tpu.memref_slice %arg3[%add3A_4, %dma_start3A_15] : memref<8192x768xf32, #tpu.memory_space<hbm>> -> memref<16x768xf32, #tpu.memory_space<hbm>>
    tpu.enqueue_dma source(%dma_start3A_16 : memref<16x768xf32, #tpu.memory_space<hbm>>) target(%dma_start3A_14 : memref<16x768xf32, #tpu.memory_space<vmem>>) target_semaphore(%arg11 : memref<!tpu.dma_semaphore, #tpu.memory_space<semaphore_mem>>)
    %add3A_17 = arith.constant 0 : i32
    %add3A_18 = arith.addi %add3A_17, %mul3A_2 : i32
    %add3A_19 = arith.constant 0 : i32
    %add3A_20 = arith.addi %add3A_18, %add3A_19 : i32
    %dma_start3A_21 = arith.constant 0 : i32
    %dma_start3A_22 = arith.constant 0 : i32
    %dma_start3A_23 = arith.constant 0 : i32
    %dma_start3A_24 = tpu.memref_slice %arg5[%dma_start3A_21, %dma_start3A_22, %dma_start3A_23] : memref<4x16x768xf32, #tpu.memory_space<vmem>> -> memref<1x16x768xf32, #tpu.memory_space<vmem>>
    %dma_start3A_25 = tpu.memref_squeeze %dma_start3A_24 : memref<1x16x768xf32, #tpu.memory_space<vmem>> -> memref<16x768xf32, #tpu.memory_space<vmem>>
    %dma_start3A_26 = arith.constant 0 : i32
    %dma_start3A_27 = tpu.memref_slice %arg2[%add3A_20, %dma_start3A_26] : memref<32768x768xf32, #tpu.memory_space<hbm>> -> memref<16x768xf32, #tpu.memory_space<hbm>>
    %dma_start3A_28 = arith.constant 0 : i32
    %dma_start3A_29 = arith.constant 0 : i32
    %dma_start3A_30 = tpu.memref_slice %arg5[%dma_start3A_21, %dma_start3A_28, %dma_start3A_29] : memref<4x16x768xf32, #tpu.memory_space<vmem>> -> memref<1x16x768xf32, #tpu.memory_space<vmem>>
    %dma_start3A_31 = tpu.memref_squeeze %dma_start3A_30 : memref<1x16x768xf32, #tpu.memory_space<vmem>> -> memref<16x768xf32, #tpu.memory_space<vmem>>
    %dma_start3A_32 = arith.constant 0 : i32
    %dma_start3A_33 = tpu.memref_slice %arg2[%add3A_20, %dma_start3A_32] : memref<32768x768xf32, #tpu.memory_space<hbm>> -> memref<16x768xf32, #tpu.memory_space<hbm>>
    tpu.enqueue_dma source(%dma_start3A_33 : memref<16x768xf32, #tpu.memory_space<hbm>>) target(%dma_start3A_31 : memref<16x768xf32, #tpu.memory_space<vmem>>) target_semaphore(%arg7 : memref<!tpu.dma_semaphore, #tpu.memory_space<semaphore_mem>>)
    %scan3A = arith.constant 0 : i32
    %scan3A_34 = arith.constant 0 : i32
    %scan3A_35 = arith.constant 8 : i32
    %scan3A_36 = arith.addi %scan3A_34, %scan3A_35 : i32
    %scan3A_37 = arith.constant 1 : i32
    scf.for %scan3A_83 = %scan3A_34 to %scan3A_36 step %scan3A_37  : i32 {
      %mul3A_84 = arith.constant 2 : i32
      %mul3A_85 = arith.muli %mul3A_84, %scan3A_83 : i32
      %add3A_86 = arith.constant 0 : i32
      %add3A_87 = arith.addi %mul3A_85, %add3A_86 : i32
      %dma_wait3A_88 = arith.constant 0 : i32
      %dma_wait3A_89 = arith.constant 0 : i32
      %dma_wait3A_90 = arith.constant 0 : i32
      %dma_wait3A_91 = tpu.memref_slice %arg6[%dma_wait3A_88, %dma_wait3A_89, %dma_wait3A_90] : memref<2x16x768xf32, #tpu.memory_space<vmem>> -> memref<1x16x768xf32, #tpu.memory_space<vmem>>
      %dma_wait3A_92 = tpu.memref_squeeze %dma_wait3A_91 : memref<1x16x768xf32, #tpu.memory_space<vmem>> -> memref<16x768xf32, #tpu.memory_space<vmem>>
      %dma_wait3A_93 = arith.constant 0 : i32
      %dma_wait3A_94 = arith.constant 0 : i32
      %dma_wait3A_95 = tpu.memref_slice %arg3[%dma_wait3A_93, %dma_wait3A_94] : memref<8192x768xf32, #tpu.memory_space<hbm>> -> memref<16x768xf32, #tpu.memory_space<hbm>>
      %dma_wait3A_96 = arith.constant 0 : i32
      %dma_wait3A_97 = arith.constant 0 : i32
      %dma_wait3A_98 = tpu.memref_slice %arg6[%dma_wait3A_88, %dma_wait3A_96, %dma_wait3A_97] : memref<2x16x768xf32, #tpu.memory_space<vmem>> -> memref<1x16x768xf32, #tpu.memory_space<vmem>>
      %dma_wait3A_99 = tpu.memref_squeeze %dma_wait3A_98 : memref<1x16x768xf32, #tpu.memory_space<vmem>> -> memref<16x768xf32, #tpu.memory_space<vmem>>
      %dma_wait3A_100 = arith.constant 0 : i32
      %dma_wait3A_101 = arith.constant 0 : i32
      %dma_wait3A_102 = tpu.memref_slice %arg3[%dma_wait3A_100, %dma_wait3A_101] : memref<8192x768xf32, #tpu.memory_space<hbm>> -> memref<16x768xf32, #tpu.memory_space<hbm>>
      tpu.wait_dma2 semaphore(%arg11 : memref<!tpu.dma_semaphore, #tpu.memory_space<semaphore_mem>>) src(%dma_wait3A_102 : memref<16x768xf32, #tpu.memory_space<hbm>>) dst(%dma_wait3A_99 : memref<16x768xf32, #tpu.memory_space<vmem>>)
      %add3A_103 = arith.constant 1 : i32
      %add3A_104 = arith.addi %add3A_87, %add3A_103 : i32
      %mul3A_105 = arith.constant 16 : i32
      %mul3A_106 = arith.muli %add3A_104, %mul3A_105 : i32
      %add3A_107 = arith.addi %mul3A_2, %mul3A_106 : i32
      %dma_start3A_108 = arith.constant 1 : i32
      %dma_start3A_109 = arith.constant 0 : i32
      %dma_start3A_110 = arith.constant 0 : i32
      %dma_start3A_111 = tpu.memref_slice %arg6[%dma_start3A_108, %dma_start3A_109, %dma_start3A_110] : memref<2x16x768xf32, #tpu.memory_space<vmem>> -> memref<1x16x768xf32, #tpu.memory_space<vmem>>
      %dma_start3A_112 = tpu.memref_squeeze %dma_start3A_111 : memref<1x16x768xf32, #tpu.memory_space<vmem>> -> memref<16x768xf32, #tpu.memory_space<vmem>>
      %dma_start3A_113 = arith.constant 0 : i32
      %dma_start3A_114 = tpu.memref_slice %arg3[%add3A_107, %dma_start3A_113] : memref<8192x768xf32, #tpu.memory_space<hbm>> -> memref<16x768xf32, #tpu.memory_space<hbm>>
      %dma_start3A_115 = arith.constant 0 : i32
      %dma_start3A_116 = arith.constant 0 : i32
      %dma_start3A_117 = tpu.memref_slice %arg6[%dma_start3A_108, %dma_start3A_115, %dma_start3A_116] : memref<2x16x768xf32, #tpu.memory_space<vmem>> -> memref<1x16x768xf32, #tpu.memory_space<vmem>>
      %dma_start3A_118 = tpu.memref_squeeze %dma_start3A_117 : memref<1x16x768xf32, #tpu.memory_space<vmem>> -> memref<16x768xf32, #tpu.memory_space<vmem>>
      %dma_start3A_119 = arith.constant 0 : i32
      %dma_start3A_120 = tpu.memref_slice %arg3[%add3A_107, %dma_start3A_119] : memref<8192x768xf32, #tpu.memory_space<hbm>> -> memref<16x768xf32, #tpu.memory_space<hbm>>
      tpu.enqueue_dma source(%dma_start3A_120 : memref<16x768xf32, #tpu.memory_space<hbm>>) target(%dma_start3A_118 : memref<16x768xf32, #tpu.memory_space<vmem>>) target_semaphore(%arg12 : memref<!tpu.dma_semaphore, #tpu.memory_space<semaphore_mem>>)
      %gt3A = arith.constant 0 : i32
      %gt3A_121 = arith.cmpi sgt, %scan3A_83, %gt3A : i32
      %convert_element_type3A = arith.extui %gt3A_121 : i1 to i32
      %cond3A = arith.constant 0 : i32
      %cond3A_122 = arith.cmpi ne, %convert_element_type3A, %cond3A : i32
      scf.if %cond3A_122 {
        %dma_wait3A_676 = arith.constant 1 : i32
        %dma_wait3A_677 = arith.constant 0 : i32
        %dma_wait3A_678 = arith.constant 0 : i32
        %dma_wait3A_679 = tpu.memref_slice %arg5[%dma_wait3A_676, %dma_wait3A_677, %dma_wait3A_678] : memref<4x16x768xf32, #tpu.memory_space<vmem>> -> memref<1x16x768xf32, #tpu.memory_space<vmem>>
        %dma_wait3A_680 = tpu.memref_squeeze %dma_wait3A_679 : memref<1x16x768xf32, #tpu.memory_space<vmem>> -> memref<16x768xf32, #tpu.memory_space<vmem>>
        %dma_wait3A_681 = arith.constant 0 : i32
        %dma_wait3A_682 = arith.constant 0 : i32
        %dma_wait3A_683 = tpu.memref_slice %arg4[%dma_wait3A_681, %dma_wait3A_682] : memref<32768x768xf32, #tpu.memory_space<hbm>> -> memref<16x768xf32, #tpu.memory_space<hbm>>
        %dma_wait3A_684 = arith.constant 0 : i32
        %dma_wait3A_685 = arith.constant 0 : i32
        %dma_wait3A_686 = tpu.memref_slice %arg4[%dma_wait3A_684, %dma_wait3A_685] : memref<32768x768xf32, #tpu.memory_space<hbm>> -> memref<16x768xf32, #tpu.memory_space<hbm>>
        %dma_wait3A_687 = arith.constant 0 : i32
        %dma_wait3A_688 = arith.constant 0 : i32
        %dma_wait3A_689 = tpu.memref_slice %arg5[%dma_wait3A_676, %dma_wait3A_687, %dma_wait3A_688] : memref<4x16x768xf32, #tpu.memory_space<vmem>> -> memref<1x16x768xf32, #tpu.memory_space<vmem>>
        %dma_wait3A_690 = tpu.memref_squeeze %dma_wait3A_689 : memref<1x16x768xf32, #tpu.memory_space<vmem>> -> memref<16x768xf32, #tpu.memory_space<vmem>>
        tpu.wait_dma2 semaphore(%arg14 : memref<!tpu.dma_semaphore, #tpu.memory_space<semaphore_mem>>) src(%dma_wait3A_690 : memref<16x768xf32, #tpu.memory_space<vmem>>) dst(%dma_wait3A_686 : memref<16x768xf32, #tpu.memory_space<hbm>>)
      } else {
      }
      %add3A_123 = arith.constant 8192 : i32
      %add3A_124 = arith.addi %add3A_123, %mul3A_2 : i32
      %mul3A_125 = arith.constant 16 : i32
      %mul3A_126 = arith.muli %add3A_87, %mul3A_125 : i32
      %add3A_127 = arith.addi %add3A_124, %mul3A_126 : i32
      %dma_start3A_128 = arith.constant 1 : i32
      %dma_start3A_129 = arith.constant 0 : i32
      %dma_start3A_130 = arith.constant 0 : i32
      %dma_start3A_131 = tpu.memref_slice %arg5[%dma_start3A_128, %dma_start3A_129, %dma_start3A_130] : memref<4x16x768xf32, #tpu.memory_space<vmem>> -> memref<1x16x768xf32, #tpu.memory_space<vmem>>
      %dma_start3A_132 = tpu.memref_squeeze %dma_start3A_131 : memref<1x16x768xf32, #tpu.memory_space<vmem>> -> memref<16x768xf32, #tpu.memory_space<vmem>>
      %dma_start3A_133 = arith.constant 0 : i32
      %dma_start3A_134 = tpu.memref_slice %arg2[%add3A_127, %dma_start3A_133] : memref<32768x768xf32, #tpu.memory_space<hbm>> -> memref<16x768xf32, #tpu.memory_space<hbm>>
      %dma_start3A_135 = arith.constant 0 : i32
      %dma_start3A_136 = arith.constant 0 : i32
      %dma_start3A_137 = tpu.memref_slice %arg5[%dma_start3A_128, %dma_start3A_135, %dma_start3A_136] : memref<4x16x768xf32, #tpu.memory_space<vmem>> -> memref<1x16x768xf32, #tpu.memory_space<vmem>>
      %dma_start3A_138 = tpu.memref_squeeze %dma_start3A_137 : memref<1x16x768xf32, #tpu.memory_space<vmem>> -> memref<16x768xf32, #tpu.memory_space<vmem>>
      %dma_start3A_139 = arith.constant 0 : i32
      %dma_start3A_140 = tpu.memref_slice %arg2[%add3A_127, %dma_start3A_139] : memref<32768x768xf32, #tpu.memory_space<hbm>> -> memref<16x768xf32, #tpu.memory_space<hbm>>
      tpu.enqueue_dma source(%dma_start3A_140 : memref<16x768xf32, #tpu.memory_space<hbm>>) target(%dma_start3A_138 : memref<16x768xf32, #tpu.memory_space<vmem>>) target_semaphore(%arg8 : memref<!tpu.dma_semaphore, #tpu.memory_space<semaphore_mem>>)
      %dma_wait3A_141 = arith.constant 0 : i32
      %dma_wait3A_142 = arith.constant 0 : i32
      %dma_wait3A_143 = arith.constant 0 : i32
      %dma_wait3A_144 = tpu.memref_slice %arg5[%dma_wait3A_141, %dma_wait3A_142, %dma_wait3A_143] : memref<4x16x768xf32, #tpu.memory_space<vmem>> -> memref<1x16x768xf32, #tpu.memory_space<vmem>>
      %dma_wait3A_145 = tpu.memref_squeeze %dma_wait3A_144 : memref<1x16x768xf32, #tpu.memory_space<vmem>> -> memref<16x768xf32, #tpu.memory_space<vmem>>
      %dma_wait3A_146 = arith.constant 0 : i32
      %dma_wait3A_147 = arith.constant 0 : i32
      %dma_wait3A_148 = tpu.memref_slice %arg2[%dma_wait3A_146, %dma_wait3A_147] : memref<32768x768xf32, #tpu.memory_space<hbm>> -> memref<16x768xf32, #tpu.memory_space<hbm>>
      %dma_wait3A_149 = arith.constant 0 : i32
      %dma_wait3A_150 = arith.constant 0 : i32
      %dma_wait3A_151 = tpu.memref_slice %arg5[%dma_wait3A_141, %dma_wait3A_149, %dma_wait3A_150] : memref<4x16x768xf32, #tpu.memory_space<vmem>> -> memref<1x16x768xf32, #tpu.memory_space<vmem>>
      %dma_wait3A_152 = tpu.memref_squeeze %dma_wait3A_151 : memref<1x16x768xf32, #tpu.memory_space<vmem>> -> memref<16x768xf32, #tpu.memory_space<vmem>>
      %dma_wait3A_153 = arith.constant 0 : i32
      %dma_wait3A_154 = arith.constant 0 : i32
      %dma_wait3A_155 = tpu.memref_slice %arg2[%dma_wait3A_153, %dma_wait3A_154] : memref<32768x768xf32, #tpu.memory_space<hbm>> -> memref<16x768xf32, #tpu.memory_space<hbm>>
      tpu.wait_dma2 semaphore(%arg7 : memref<!tpu.dma_semaphore, #tpu.memory_space<semaphore_mem>>) src(%dma_wait3A_155 : memref<16x768xf32, #tpu.memory_space<hbm>>) dst(%dma_wait3A_152 : memref<16x768xf32, #tpu.memory_space<vmem>>)
      %scan3A_156 = arith.constant 0 : i32
      %scan3A_157 = arith.constant 0 : i32
      %scan3A_158 = arith.constant 16 : i32
      %scan3A_159 = arith.addi %scan3A_157, %scan3A_158 : i32
      %scan3A_160 = arith.constant 1 : i32
      scf.for %scan3A_676 = %scan3A_157 to %scan3A_159 step %scan3A_160  : i32 {
        %parallel_loop3A = arith.constant 0 : i32
        %parallel_loop3A_677 = arith.constant 768 : i32
        %parallel_loop3A_678 = arith.constant 16 : i32
        scf.for %parallel_loop3A_679 = %parallel_loop3A to %parallel_loop3A_677 step %parallel_loop3A_678  : i32 {
          %parallel_loop3A_680 = arith.constant 0 : i32
          %parallel_loop3A_681 = arith.index_cast %parallel_loop3A_680 : i32 to index
          %parallel_loop3A_682 = arith.index_cast %scan3A_676 : i32 to index
          %parallel_loop3A_683 = arith.index_cast %parallel_loop3A_679 : i32 to index
          %parallel_loop3A_684 = tpu.vector_load %arg6[%parallel_loop3A_681, %parallel_loop3A_682, %parallel_loop3A_683] {strides = array<i32>} : memref<2x16x768xf32, #tpu.memory_space<vmem>>, vector<1x1x16xf32>,
          %parallel_loop3A_685 = vector.shape_cast %parallel_loop3A_684 : vector<1x1x16xf32> to vector<16xf32>
          %parallel_loop3A_686 = arith.constant 0 : i32
          %parallel_loop3A_687 = arith.index_cast %parallel_loop3A_686 : i32 to index
          %parallel_loop3A_688 = arith.index_cast %scan3A_676 : i32 to index
          %parallel_loop3A_689 = arith.index_cast %parallel_loop3A_679 : i32 to index
          %parallel_loop3A_690 = tpu.vector_load %arg5[%parallel_loop3A_687, %parallel_loop3A_688, %parallel_loop3A_689] {strides = array<i32>} : memref<4x16x768xf32, #tpu.memory_space<vmem>>, vector<1x1x16xf32>,
          %parallel_loop3A_691 = vector.shape_cast %parallel_loop3A_690 : vector<1x1x16xf32> to vector<16xf32>
          %parallel_loop3A_692 = vector.shape_cast %parallel_loop3A_685 : vector<16xf32> to vector<1x1x16xf32>
          tpu.vector_store %arg5[%parallel_loop3A_687, %parallel_loop3A_688, %parallel_loop3A_689], %parallel_loop3A_692 {add = true, strides = array<i32>} : memref<4x16x768xf32, #tpu.memory_space<vmem>>, vector<1x1x16xf32>,
        } {sc.loop_unroll_factor = 8 : i64, sc.parallel_access}
      }
      %scan3A_161 = arith.constant 16 : i32
      %add3A_162 = arith.constant 0 : i32
      %add3A_163 = arith.addi %add3A_162, %mul3A_2 : i32
      %mul3A_164 = arith.constant 16 : i32
      %mul3A_165 = arith.muli %add3A_87, %mul3A_164 : i32
      %add3A_166 = arith.addi %add3A_163, %mul3A_165 : i32
      %dma_start3A_167 = arith.constant 0 : i32
      %dma_start3A_168 = arith.constant 0 : i32
      %dma_start3A_169 = arith.constant 0 : i32
      %dma_start3A_170 = tpu.memref_slice %arg5[%dma_start3A_167, %dma_start3A_168, %dma_start3A_169] : memref<4x16x768xf32, #tpu.memory_space<vmem>> -> memref<1x16x768xf32, #tpu.memory_space<vmem>>
      %dma_start3A_171 = tpu.memref_squeeze %dma_start3A_170 : memref<1x16x768xf32, #tpu.memory_space<vmem>> -> memref<16x768xf32, #tpu.memory_space<vmem>>
      %dma_start3A_172 = arith.constant 0 : i32
      %dma_start3A_173 = tpu.memref_slice %arg4[%add3A_166, %dma_start3A_172] : memref<32768x768xf32, #tpu.memory_space<hbm>> -> memref<16x768xf32, #tpu.memory_space<hbm>>
      %dma_start3A_174 = arith.constant 0 : i32
      %dma_start3A_175 = tpu.memref_slice %arg4[%add3A_166, %dma_start3A_174] : memref<32768x768xf32, #tpu.memory_space<hbm>> -> memref<16x768xf32, #tpu.memory_space<hbm>>
      %dma_start3A_176 = arith.constant 0 : i32
      %dma_start3A_177 = arith.constant 0 : i32
      %dma_start3A_178 = tpu.memref_slice %arg5[%dma_start3A_167, %dma_start3A_176, %dma_start3A_177] : memref<4x16x768xf32, #tpu.memory_space<vmem>> -> memref<1x16x768xf32, #tpu.memory_space<vmem>>
      %dma_start3A_179 = tpu.memref_squeeze %dma_start3A_178 : memref<1x16x768xf32, #tpu.memory_space<vmem>> -> memref<16x768xf32, #tpu.memory_space<vmem>>
      tpu.enqueue_dma source(%dma_start3A_179 : memref<16x768xf32, #tpu.memory_space<vmem>>) target(%dma_start3A_175 : memref<16x768xf32, #tpu.memory_space<hbm>>) target_semaphore(%arg13 : memref<!tpu.dma_semaphore, #tpu.memory_space<semaphore_mem>>)
      %gt3A_180 = arith.constant 0 : i32
      %gt3A_181 = arith.cmpi sgt, %scan3A_83, %gt3A_180 : i32
      %convert_element_type3A_182 = arith.extui %gt3A_181 : i1 to i32
      %cond3A_183 = arith.constant 0 : i32
      %cond3A_184 = arith.cmpi ne, %convert_element_type3A_182, %cond3A_183 : i32
      scf.if %cond3A_184 {
        %dma_wait3A_676 = arith.constant 2 : i32
        %dma_wait3A_677 = arith.constant 0 : i32
        %dma_wait3A_678 = arith.constant 0 : i32
        %dma_wait3A_679 = tpu.memref_slice %arg5[%dma_wait3A_676, %dma_wait3A_677, %dma_wait3A_678] : memref<4x16x768xf32, #tpu.memory_space<vmem>> -> memref<1x16x768xf32, #tpu.memory_space<vmem>>
        %dma_wait3A_680 = tpu.memref_squeeze %dma_wait3A_679 : memref<1x16x768xf32, #tpu.memory_space<vmem>> -> memref<16x768xf32, #tpu.memory_space<vmem>>
        %dma_wait3A_681 = arith.constant 0 : i32
        %dma_wait3A_682 = arith.constant 0 : i32
        %dma_wait3A_683 = tpu.memref_slice %arg4[%dma_wait3A_681, %dma_wait3A_682] : memref<32768x768xf32, #tpu.memory_space<hbm>> -> memref<16x768xf32, #tpu.memory_space<hbm>>
        %dma_wait3A_684 = arith.constant 0 : i32
        %dma_wait3A_685 = arith.constant 0 : i32
        %dma_wait3A_686 = tpu.memref_slice %arg4[%dma_wait3A_684, %dma_wait3A_685] : memref<32768x768xf32, #tpu.memory_space<hbm>> -> memref<16x768xf32, #tpu.memory_space<hbm>>
        %dma_wait3A_687 = arith.constant 0 : i32
        %dma_wait3A_688 = arith.constant 0 : i32
        %dma_wait3A_689 = tpu.memref_slice %arg5[%dma_wait3A_676, %dma_wait3A_687, %dma_wait3A_688] : memref<4x16x768xf32, #tpu.memory_space<vmem>> -> memref<1x16x768xf32, #tpu.memory_space<vmem>>
        %dma_wait3A_690 = tpu.memref_squeeze %dma_wait3A_689 : memref<1x16x768xf32, #tpu.memory_space<vmem>> -> memref<16x768xf32, #tpu.memory_space<vmem>>
        tpu.wait_dma2 semaphore(%arg15 : memref<!tpu.dma_semaphore, #tpu.memory_space<semaphore_mem>>) src(%dma_wait3A_690 : memref<16x768xf32, #tpu.memory_space<vmem>>) dst(%dma_wait3A_686 : memref<16x768xf32, #tpu.memory_space<hbm>>)
      } else {
      }
      %add3A_185 = arith.constant 16384 : i32
      %add3A_186 = arith.addi %add3A_185, %mul3A_2 : i32
      %mul3A_187 = arith.constant 16 : i32
      %mul3A_188 = arith.muli %add3A_87, %mul3A_187 : i32
      %add3A_189 = arith.addi %add3A_186, %mul3A_188 : i32
      %dma_start3A_190 = arith.constant 2 : i32
      %dma_start3A_191 = arith.constant 0 : i32
      %dma_start3A_192 = arith.constant 0 : i32
      %dma_start3A_193 = tpu.memref_slice %arg5[%dma_start3A_190, %dma_start3A_191, %dma_start3A_192] : memref<4x16x768xf32, #tpu.memory_space<vmem>> -> memref<1x16x768xf32, #tpu.memory_space<vmem>>
      %dma_start3A_194 = tpu.memref_squeeze %dma_start3A_193 : memref<1x16x768xf32, #tpu.memory_space<vmem>> -> memref<16x768xf32, #tpu.memory_space<vmem>>
      %dma_start3A_195 = arith.constant 0 : i32
      %dma_start3A_196 = tpu.memref_slice %arg2[%add3A_189, %dma_start3A_195] : memref<32768x768xf32, #tpu.memory_space<hbm>> -> memref<16x768xf32, #tpu.memory_space<hbm>>
      %dma_start3A_197 = arith.constant 0 : i32
      %dma_start3A_198 = arith.constant 0 : i32
      %dma_start3A_199 = tpu.memref_slice %arg5[%dma_start3A_190, %dma_start3A_197, %dma_start3A_198] : memref<4x16x768xf32, #tpu.memory_space<vmem>> -> memref<1x16x768xf32, #tpu.memory_space<vmem>>
      %dma_start3A_200 = tpu.memref_squeeze %dma_start3A_199 : memref<1x16x768xf32, #tpu.memory_space<vmem>> -> memref<16x768xf32, #tpu.memory_space<vmem>>
      %dma_start3A_201 = arith.constant 0 : i32
      %dma_start3A_202 = tpu.memref_slice %arg2[%add3A_189, %dma_start3A_201] : memref<32768x768xf32, #tpu.memory_space<hbm>> -> memref<16x768xf32, #tpu.memory_space<hbm>>
      tpu.enqueue_dma source(%dma_start3A_202 : memref<16x768xf32, #tpu.memory_space<hbm>>) target(%dma_start3A_200 : memref<16x768xf32, #tpu.memory_space<vmem>>) target_semaphore(%arg9 : memref<!tpu.dma_semaphore, #tpu.memory_space<semaphore_mem>>)
      %dma_wait3A_203 = arith.constant 1 : i32
      %dma_wait3A_204 = arith.constant 0 : i32
      %dma_wait3A_205 = arith.constant 0 : i32
      %dma_wait3A_206 = tpu.memref_slice %arg5[%dma_wait3A_203, %dma_wait3A_204, %dma_wait3A_205] : memref<4x16x768xf32, #tpu.memory_space<vmem>> -> memref<1x16x768xf32, #tpu.memory_space<vmem>>
      %dma_wait3A_207 = tpu.memref_squeeze %dma_wait3A_206 : memref<1x16x768xf32, #tpu.memory_space<vmem>> -> memref<16x768xf32, #tpu.memory_space<vmem>>
      %dma_wait3A_208 = arith.constant 0 : i32
      %dma_wait3A_209 = arith.constant 0 : i32
      %dma_wait3A_210 = tpu.memref_slice %arg2[%dma_wait3A_208, %dma_wait3A_209] : memref<32768x768xf32, #tpu.memory_space<hbm>> -> memref<16x768xf32, #tpu.memory_space<hbm>>
      %dma_wait3A_211 = arith.constant 0 : i32
      %dma_wait3A_212 = arith.constant 0 : i32
      %dma_wait3A_213 = tpu.memref_slice %arg5[%dma_wait3A_203, %dma_wait3A_211, %dma_wait3A_212] : memref<4x16x768xf32, #tpu.memory_space<vmem>> -> memref<1x16x768xf32, #tpu.memory_space<vmem>>
      %dma_wait3A_214 = tpu.memref_squeeze %dma_wait3A_213 : memref<1x16x768xf32, #tpu.memory_space<vmem>> -> memref<16x768xf32, #tpu.memory_space<vmem>>
      %dma_wait3A_215 = arith.constant 0 : i32
      %dma_wait3A_216 = arith.constant 0 : i32
      %dma_wait3A_217 = tpu.memref_slice %arg2[%dma_wait3A_215, %dma_wait3A_216] : memref<32768x768xf32, #tpu.memory_space<hbm>> -> memref<16x768xf32, #tpu.memory_space<hbm>>
      tpu.wait_dma2 semaphore(%arg8 : memref<!tpu.dma_semaphore, #tpu.memory_space<semaphore_mem>>) src(%dma_wait3A_217 : memref<16x768xf32, #tpu.memory_space<hbm>>) dst(%dma_wait3A_214 : memref<16x768xf32, #tpu.memory_space<vmem>>)
      %scan3A_218 = arith.constant 0 : i32
      %scan3A_219 = arith.constant 0 : i32
      %scan3A_220 = arith.constant 16 : i32
      %scan3A_221 = arith.addi %scan3A_219, %scan3A_220 : i32
      %scan3A_222 = arith.constant 1 : i32
      scf.for %scan3A_676 = %scan3A_219 to %scan3A_221 step %scan3A_222  : i32 {
        %parallel_loop3A = arith.constant 0 : i32
        %parallel_loop3A_677 = arith.constant 768 : i32
        %parallel_loop3A_678 = arith.constant 16 : i32
        scf.for %parallel_loop3A_679 = %parallel_loop3A to %parallel_loop3A_677 step %parallel_loop3A_678  : i32 {
          %parallel_loop3A_680 = arith.constant 0 : i32
          %parallel_loop3A_681 = arith.index_cast %parallel_loop3A_680 : i32 to index
          %parallel_loop3A_682 = arith.index_cast %scan3A_676 : i32 to index
          %parallel_loop3A_683 = arith.index_cast %parallel_loop3A_679 : i32 to index
          %parallel_loop3A_684 = tpu.vector_load %arg6[%parallel_loop3A_681, %parallel_loop3A_682, %parallel_loop3A_683] {strides = array<i32>} : memref<2x16x768xf32, #tpu.memory_space<vmem>>, vector<1x1x16xf32>,
          %parallel_loop3A_685 = vector.shape_cast %parallel_loop3A_684 : vector<1x1x16xf32> to vector<16xf32>
          %parallel_loop3A_686 = arith.constant 1 : i32
          %parallel_loop3A_687 = arith.index_cast %parallel_loop3A_686 : i32 to index
          %parallel_loop3A_688 = arith.index_cast %scan3A_676 : i32 to index
          %parallel_loop3A_689 = arith.index_cast %parallel_loop3A_679 : i32 to index
          %parallel_loop3A_690 = tpu.vector_load %arg5[%parallel_loop3A_687, %parallel_loop3A_688, %parallel_loop3A_689] {strides = array<i32>} : memref<4x16x768xf32, #tpu.memory_space<vmem>>, vector<1x1x16xf32>,
          %parallel_loop3A_691 = vector.shape_cast %parallel_loop3A_690 : vector<1x1x16xf32> to vector<16xf32>
          %parallel_loop3A_692 = vector.shape_cast %parallel_loop3A_685 : vector<16xf32> to vector<1x1x16xf32>
          tpu.vector_store %arg5[%parallel_loop3A_687, %parallel_loop3A_688, %parallel_loop3A_689], %parallel_loop3A_692 {add = true, strides = array<i32>} : memref<4x16x768xf32, #tpu.memory_space<vmem>>, vector<1x1x16xf32>,
        } {sc.loop_unroll_factor = 8 : i64, sc.parallel_access}
      }
      %scan3A_223 = arith.constant 16 : i32
      %add3A_224 = arith.constant 8192 : i32
      %add3A_225 = arith.addi %add3A_224, %mul3A_2 : i32
      %mul3A_226 = arith.constant 16 : i32
      %mul3A_227 = arith.muli %add3A_87, %mul3A_226 : i32
      %add3A_228 = arith.addi %add3A_225, %mul3A_227 : i32
      %dma_start3A_229 = arith.constant 1 : i32
      %dma_start3A_230 = arith.constant 0 : i32
      %dma_start3A_231 = arith.constant 0 : i32
      %dma_start3A_232 = tpu.memref_slice %arg5[%dma_start3A_229, %dma_start3A_230, %dma_start3A_231] : memref<4x16x768xf32, #tpu.memory_space<vmem>> -> memref<1x16x768xf32, #tpu.memory_space<vmem>>
      %dma_start3A_233 = tpu.memref_squeeze %dma_start3A_232 : memref<1x16x768xf32, #tpu.memory_space<vmem>> -> memref<16x768xf32, #tpu.memory_space<vmem>>
      %dma_start3A_234 = arith.constant 0 : i32
      %dma_start3A_235 = tpu.memref_slice %arg4[%add3A_228, %dma_start3A_234] : memref<32768x768xf32, #tpu.memory_space<hbm>> -> memref<16x768xf32, #tpu.memory_space<hbm>>
      %dma_start3A_236 = arith.constant 0 : i32
      %dma_start3A_237 = tpu.memref_slice %arg4[%add3A_228, %dma_start3A_236] : memref<32768x768xf32, #tpu.memory_space<hbm>> -> memref<16x768xf32, #tpu.memory_space<hbm>>
      %dma_start3A_238 = arith.constant 0 : i32
      %dma_start3A_239 = arith.constant 0 : i32
      %dma_start3A_240 = tpu.memref_slice %arg5[%dma_start3A_229, %dma_start3A_238, %dma_start3A_239] : memref<4x16x768xf32, #tpu.memory_space<vmem>> -> memref<1x16x768xf32, #tpu.memory_space<vmem>>
      %dma_start3A_241 = tpu.memref_squeeze %dma_start3A_240 : memref<1x16x768xf32, #tpu.memory_space<vmem>> -> memref<16x768xf32, #tpu.memory_space<vmem>>
      tpu.enqueue_dma source(%dma_start3A_241 : memref<16x768xf32, #tpu.memory_space<vmem>>) target(%dma_start3A_237 : memref<16x768xf32, #tpu.memory_space<hbm>>) target_semaphore(%arg14 : memref<!tpu.dma_semaphore, #tpu.memory_space<semaphore_mem>>)
      %gt3A_242 = arith.constant 0 : i32
      %gt3A_243 = arith.cmpi sgt, %scan3A_83, %gt3A_242 : i32
      %convert_element_type3A_244 = arith.extui %gt3A_243 : i1 to i32
      %cond3A_245 = arith.constant 0 : i32
      %cond3A_246 = arith.cmpi ne, %convert_element_type3A_244, %cond3A_245 : i32
      scf.if %cond3A_246 {
        %dma_wait3A_676 = arith.constant 3 : i32
        %dma_wait3A_677 = arith.constant 0 : i32
        %dma_wait3A_678 = arith.constant 0 : i32
        %dma_wait3A_679 = tpu.memref_slice %arg5[%dma_wait3A_676, %dma_wait3A_677, %dma_wait3A_678] : memref<4x16x768xf32, #tpu.memory_space<vmem>> -> memref<1x16x768xf32, #tpu.memory_space<vmem>>
        %dma_wait3A_680 = tpu.memref_squeeze %dma_wait3A_679 : memref<1x16x768xf32, #tpu.memory_space<vmem>> -> memref<16x768xf32, #tpu.memory_space<vmem>>
        %dma_wait3A_681 = arith.constant 0 : i32
        %dma_wait3A_682 = arith.constant 0 : i32
        %dma_wait3A_683 = tpu.memref_slice %arg4[%dma_wait3A_681, %dma_wait3A_682] : memref<32768x768xf32, #tpu.memory_space<hbm>> -> memref<16x768xf32, #tpu.memory_space<hbm>>
        %dma_wait3A_684 = arith.constant 0 : i32
        %dma_wait3A_685 = arith.constant 0 : i32
        %dma_wait3A_686 = tpu.memref_slice %arg4[%dma_wait3A_684, %dma_wait3A_685] : memref<32768x768xf32, #tpu.memory_space<hbm>> -> memref<16x768xf32, #tpu.memory_space<hbm>>
        %dma_wait3A_687 = arith.constant 0 : i32
        %dma_wait3A_688 = arith.constant 0 : i32
        %dma_wait3A_689 = tpu.memref_slice %arg5[%dma_wait3A_676, %dma_wait3A_687, %dma_wait3A_688] : memref<4x16x768xf32, #tpu.memory_space<vmem>> -> memref<1x16x768xf32, #tpu.memory_space<vmem>>
        %dma_wait3A_690 = tpu.memref_squeeze %dma_wait3A_689 : memref<1x16x768xf32, #tpu.memory_space<vmem>> -> memref<16x768xf32, #tpu.memory_space<vmem>>
        tpu.wait_dma2 semaphore(%arg16 : memref<!tpu.dma_semaphore, #tpu.memory_space<semaphore_mem>>) src(%dma_wait3A_690 : memref<16x768xf32, #tpu.memory_space<vmem>>) dst(%dma_wait3A_686 : memref<16x768xf32, #tpu.memory_space<hbm>>)
      } else {
      }
      %add3A_247 = arith.constant 24576 : i32
      %add3A_248 = arith.addi %add3A_247, %mul3A_2 : i32
      %mul3A_249 = arith.constant 16 : i32
      %mul3A_250 = arith.muli %add3A_87, %mul3A_249 : i32
      %add3A_251 = arith.addi %add3A_248, %mul3A_250 : i32
      %dma_start3A_252 = arith.constant 3 : i32
      %dma_start3A_253 = arith.constant 0 : i32
      %dma_start3A_254 = arith.constant 0 : i32
      %dma_start3A_255 = tpu.memref_slice %arg5[%dma_start3A_252, %dma_start3A_253, %dma_start3A_254] : memref<4x16x768xf32, #tpu.memory_space<vmem>> -> memref<1x16x768xf32, #tpu.memory_space<vmem>>
      %dma_start3A_256 = tpu.memref_squeeze %dma_start3A_255 : memref<1x16x768xf32, #tpu.memory_space<vmem>> -> memref<16x768xf32, #tpu.memory_space<vmem>>
      %dma_start3A_257 = arith.constant 0 : i32
      %dma_start3A_258 = tpu.memref_slice %arg2[%add3A_251, %dma_start3A_257] : memref<32768x768xf32, #tpu.memory_space<hbm>> -> memref<16x768xf32, #tpu.memory_space<hbm>>
      %dma_start3A_259 = arith.constant 0 : i32
      %dma_start3A_260 = arith.constant 0 : i32
      %dma_start3A_261 = tpu.memref_slice %arg5[%dma_start3A_252, %dma_start3A_259, %dma_start3A_260] : memref<4x16x768xf32, #tpu.memory_space<vmem>> -> memref<1x16x768xf32, #tpu.memory_space<vmem>>
      %dma_start3A_262 = tpu.memref_squeeze %dma_start3A_261 : memref<1x16x768xf32, #tpu.memory_space<vmem>> -> memref<16x768xf32, #tpu.memory_space<vmem>>
      %dma_start3A_263 = arith.constant 0 : i32
      %dma_start3A_264 = tpu.memref_slice %arg2[%add3A_251, %dma_start3A_263] : memref<32768x768xf32, #tpu.memory_space<hbm>> -> memref<16x768xf32, #tpu.memory_space<hbm>>
      tpu.enqueue_dma source(%dma_start3A_264 : memref<16x768xf32, #tpu.memory_space<hbm>>) target(%dma_start3A_262 : memref<16x768xf32, #tpu.memory_space<vmem>>) target_semaphore(%arg10 : memref<!tpu.dma_semaphore, #tpu.memory_space<semaphore_mem>>)
      %dma_wait3A_265 = arith.constant 2 : i32
      %dma_wait3A_266 = arith.constant 0 : i32
      %dma_wait3A_267 = arith.constant 0 : i32
      %dma_wait3A_268 = tpu.memref_slice %arg5[%dma_wait3A_265, %dma_wait3A_266, %dma_wait3A_267] : memref<4x16x768xf32, #tpu.memory_space<vmem>> -> memref<1x16x768xf32, #tpu.memory_space<vmem>>
      %dma_wait3A_269 = tpu.memref_squeeze %dma_wait3A_268 : memref<1x16x768xf32, #tpu.memory_space<vmem>> -> memref<16x768xf32, #tpu.memory_space<vmem>>
      %dma_wait3A_270 = arith.constant 0 : i32
      %dma_wait3A_271 = arith.constant 0 : i32
      %dma_wait3A_272 = tpu.memref_slice %arg2[%dma_wait3A_270, %dma_wait3A_271] : memref<32768x768xf32, #tpu.memory_space<hbm>> -> memref<16x768xf32, #tpu.memory_space<hbm>>
      %dma_wait3A_273 = arith.constant 0 : i32
      %dma_wait3A_274 = arith.constant 0 : i32
      %dma_wait3A_275 = tpu.memref_slice %arg5[%dma_wait3A_265, %dma_wait3A_273, %dma_wait3A_274] : memref<4x16x768xf32, #tpu.memory_space<vmem>> -> memref<1x16x768xf32, #tpu.memory_space<vmem>>
      %dma_wait3A_276 = tpu.memref_squeeze %dma_wait3A_275 : memref<1x16x768xf32, #tpu.memory_space<vmem>> -> memref<16x768xf32, #tpu.memory_space<vmem>>
      %dma_wait3A_277 = arith.constant 0 : i32
      %dma_wait3A_278 = arith.constant 0 : i32
      %dma_wait3A_279 = tpu.memref_slice %arg2[%dma_wait3A_277, %dma_wait3A_278] : memref<32768x768xf32, #tpu.memory_space<hbm>> -> memref<16x768xf32, #tpu.memory_space<hbm>>
      tpu.wait_dma2 semaphore(%arg9 : memref<!tpu.dma_semaphore, #tpu.memory_space<semaphore_mem>>) src(%dma_wait3A_279 : memref<16x768xf32, #tpu.memory_space<hbm>>) dst(%dma_wait3A_276 : memref<16x768xf32, #tpu.memory_space<vmem>>)
      %scan3A_280 = arith.constant 0 : i32
      %scan3A_281 = arith.constant 0 : i32
      %scan3A_282 = arith.constant 16 : i32
      %scan3A_283 = arith.addi %scan3A_281, %scan3A_282 : i32
      %scan3A_284 = arith.constant 1 : i32
      scf.for %scan3A_676 = %scan3A_281 to %scan3A_283 step %scan3A_284  : i32 {
        %parallel_loop3A = arith.constant 0 : i32
        %parallel_loop3A_677 = arith.constant 768 : i32
        %parallel_loop3A_678 = arith.constant 16 : i32
        scf.for %parallel_loop3A_679 = %parallel_loop3A to %parallel_loop3A_677 step %parallel_loop3A_678  : i32 {
          %parallel_loop3A_680 = arith.constant 0 : i32
          %parallel_loop3A_681 = arith.index_cast %parallel_loop3A_680 : i32 to index
          %parallel_loop3A_682 = arith.index_cast %scan3A_676 : i32 to index
          %parallel_loop3A_683 = arith.index_cast %parallel_loop3A_679 : i32 to index
          %parallel_loop3A_684 = tpu.vector_load %arg6[%parallel_loop3A_681, %parallel_loop3A_682, %parallel_loop3A_683] {strides = array<i32>} : memref<2x16x768xf32, #tpu.memory_space<vmem>>, vector<1x1x16xf32>,
          %parallel_loop3A_685 = vector.shape_cast %parallel_loop3A_684 : vector<1x1x16xf32> to vector<16xf32>
          %parallel_loop3A_686 = arith.constant 2 : i32
          %parallel_loop3A_687 = arith.index_cast %parallel_loop3A_686 : i32 to index
          %parallel_loop3A_688 = arith.index_cast %scan3A_676 : i32 to index
          %parallel_loop3A_689 = arith.index_cast %parallel_loop3A_679 : i32 to index
          %parallel_loop3A_690 = tpu.vector_load %arg5[%parallel_loop3A_687, %parallel_loop3A_688, %parallel_loop3A_689] {strides = array<i32>} : memref<4x16x768xf32, #tpu.memory_space<vmem>>, vector<1x1x16xf32>,
          %parallel_loop3A_691 = vector.shape_cast %parallel_loop3A_690 : vector<1x1x16xf32> to vector<16xf32>
          %parallel_loop3A_692 = vector.shape_cast %parallel_loop3A_685 : vector<16xf32> to vector<1x1x16xf32>
          tpu.vector_store %arg5[%parallel_loop3A_687, %parallel_loop3A_688, %parallel_loop3A_689], %parallel_loop3A_692 {add = true, strides = array<i32>} : memref<4x16x768xf32, #tpu.memory_space<vmem>>, vector<1x1x16xf32>,
        } {sc.loop_unroll_factor = 8 : i64, sc.parallel_access}
      }
      %scan3A_285 = arith.constant 16 : i32
      %add3A_286 = arith.constant 16384 : i32
      %add3A_287 = arith.addi %add3A_286, %mul3A_2 : i32
      %mul3A_288 = arith.constant 16 : i32
      %mul3A_289 = arith.muli %add3A_87, %mul3A_288 : i32
      %add3A_290 = arith.addi %add3A_287, %mul3A_289 : i32
      %dma_start3A_291 = arith.constant 2 : i32
      %dma_start3A_292 = arith.constant 0 : i32
      %dma_start3A_293 = arith.constant 0 : i32
      %dma_start3A_294 = tpu.memref_slice %arg5[%dma_start3A_291, %dma_start3A_292, %dma_start3A_293] : memref<4x16x768xf32, #tpu.memory_space<vmem>> -> memref<1x16x768xf32, #tpu.memory_space<vmem>>
      %dma_start3A_295 = tpu.memref_squeeze %dma_start3A_294 : memref<1x16x768xf32, #tpu.memory_space<vmem>> -> memref<16x768xf32, #tpu.memory_space<vmem>>
      %dma_start3A_296 = arith.constant 0 : i32
      %dma_start3A_297 = tpu.memref_slice %arg4[%add3A_290, %dma_start3A_296] : memref<32768x768xf32, #tpu.memory_space<hbm>> -> memref<16x768xf32, #tpu.memory_space<hbm>>
      %dma_start3A_298 = arith.constant 0 : i32
      %dma_start3A_299 = tpu.memref_slice %arg4[%add3A_290, %dma_start3A_298] : memref<32768x768xf32, #tpu.memory_space<hbm>> -> memref<16x768xf32, #tpu.memory_space<hbm>>
      %dma_start3A_300 = arith.constant 0 : i32
      %dma_start3A_301 = arith.constant 0 : i32
      %dma_start3A_302 = tpu.memref_slice %arg5[%dma_start3A_291, %dma_start3A_300, %dma_start3A_301] : memref<4x16x768xf32, #tpu.memory_space<vmem>> -> memref<1x16x768xf32, #tpu.memory_space<vmem>>
      %dma_start3A_303 = tpu.memref_squeeze %dma_start3A_302 : memref<1x16x768xf32, #tpu.memory_space<vmem>> -> memref<16x768xf32, #tpu.memory_space<vmem>>
      tpu.enqueue_dma source(%dma_start3A_303 : memref<16x768xf32, #tpu.memory_space<vmem>>) target(%dma_start3A_299 : memref<16x768xf32, #tpu.memory_space<hbm>>) target_semaphore(%arg15 : memref<!tpu.dma_semaphore, #tpu.memory_space<semaphore_mem>>)
      %dma_wait3A_304 = arith.constant 0 : i32
      %dma_wait3A_305 = arith.constant 0 : i32
      %dma_wait3A_306 = arith.constant 0 : i32
      %dma_wait3A_307 = tpu.memref_slice %arg5[%dma_wait3A_304, %dma_wait3A_305, %dma_wait3A_306] : memref<4x16x768xf32, #tpu.memory_space<vmem>> -> memref<1x16x768xf32, #tpu.memory_space<vmem>>
      %dma_wait3A_308 = tpu.memref_squeeze %dma_wait3A_307 : memref<1x16x768xf32, #tpu.memory_space<vmem>> -> memref<16x768xf32, #tpu.memory_space<vmem>>
      %dma_wait3A_309 = arith.constant 0 : i32
      %dma_wait3A_310 = arith.constant 0 : i32
      %dma_wait3A_311 = tpu.memref_slice %arg4[%dma_wait3A_309, %dma_wait3A_310] : memref<32768x768xf32, #tpu.memory_space<hbm>> -> memref<16x768xf32, #tpu.memory_space<hbm>>
      %dma_wait3A_312 = arith.constant 0 : i32
      %dma_wait3A_313 = arith.constant 0 : i32
      %dma_wait3A_314 = tpu.memref_slice %arg4[%dma_wait3A_312, %dma_wait3A_313] : memref<32768x768xf32, #tpu.memory_space<hbm>> -> memref<16x768xf32, #tpu.memory_space<hbm>>
      %dma_wait3A_315 = arith.constant 0 : i32
      %dma_wait3A_316 = arith.constant 0 : i32
      %dma_wait3A_317 = tpu.memref_slice %arg5[%dma_wait3A_304, %dma_wait3A_315, %dma_wait3A_316] : memref<4x16x768xf32, #tpu.memory_space<vmem>> -> memref<1x16x768xf32, #tpu.memory_space<vmem>>
      %dma_wait3A_318 = tpu.memref_squeeze %dma_wait3A_317 : memref<1x16x768xf32, #tpu.memory_space<vmem>> -> memref<16x768xf32, #tpu.memory_space<vmem>>
      tpu.wait_dma2 semaphore(%arg13 : memref<!tpu.dma_semaphore, #tpu.memory_space<semaphore_mem>>) src(%dma_wait3A_318 : memref<16x768xf32, #tpu.memory_space<vmem>>) dst(%dma_wait3A_314 : memref<16x768xf32, #tpu.memory_space<hbm>>)
      %add3A_319 = arith.constant 1 : i32
      %add3A_320 = arith.addi %add3A_87, %add3A_319 : i32
      %add3A_321 = arith.constant 0 : i32
      %add3A_322 = arith.addi %add3A_321, %mul3A_2 : i32
      %mul3A_323 = arith.constant 16 : i32
      %mul3A_324 = arith.muli %add3A_320, %mul3A_323 : i32
      %add3A_325 = arith.addi %add3A_322, %mul3A_324 : i32
      %dma_start3A_326 = arith.constant 0 : i32
      %dma_start3A_327 = arith.constant 0 : i32
      %dma_start3A_328 = arith.constant 0 : i32
      %dma_start3A_329 = tpu.memref_slice %arg5[%dma_start3A_326, %dma_start3A_327, %dma_start3A_328] : memref<4x16x768xf32, #tpu.memory_space<vmem>> -> memref<1x16x768xf32, #tpu.memory_space<vmem>>
      %dma_start3A_330 = tpu.memref_squeeze %dma_start3A_329 : memref<1x16x768xf32, #tpu.memory_space<vmem>> -> memref<16x768xf32, #tpu.memory_space<vmem>>
      %dma_start3A_331 = arith.constant 0 : i32
      %dma_start3A_332 = tpu.memref_slice %arg2[%add3A_325, %dma_start3A_331] : memref<32768x768xf32, #tpu.memory_space<hbm>> -> memref<16x768xf32, #tpu.memory_space<hbm>>
      %dma_start3A_333 = arith.constant 0 : i32
      %dma_start3A_334 = arith.constant 0 : i32
      %dma_start3A_335 = tpu.memref_slice %arg5[%dma_start3A_326, %dma_start3A_333, %dma_start3A_334] : memref<4x16x768xf32, #tpu.memory_space<vmem>> -> memref<1x16x768xf32, #tpu.memory_space<vmem>>
      %dma_start3A_336 = tpu.memref_squeeze %dma_start3A_335 : memref<1x16x768xf32, #tpu.memory_space<vmem>> -> memref<16x768xf32, #tpu.memory_space<vmem>>
      %dma_start3A_337 = arith.constant 0 : i32
      %dma_start3A_338 = tpu.memref_slice %arg2[%add3A_325, %dma_start3A_337] : memref<32768x768xf32, #tpu.memory_space<hbm>> -> memref<16x768xf32, #tpu.memory_space<hbm>>
      tpu.enqueue_dma source(%dma_start3A_338 : memref<16x768xf32, #tpu.memory_space<hbm>>) target(%dma_start3A_336 : memref<16x768xf32, #tpu.memory_space<vmem>>) target_semaphore(%arg7 : memref<!tpu.dma_semaphore, #tpu.memory_space<semaphore_mem>>)
      %dma_wait3A_339 = arith.constant 3 : i32
      %dma_wait3A_340 = arith.constant 0 : i32
      %dma_wait3A_341 = arith.constant 0 : i32
      %dma_wait3A_342 = tpu.memref_slice %arg5[%dma_wait3A_339, %dma_wait3A_340, %dma_wait3A_341] : memref<4x16x768xf32, #tpu.memory_space<vmem>> -> memref<1x16x768xf32, #tpu.memory_space<vmem>>
      %dma_wait3A_343 = tpu.memref_squeeze %dma_wait3A_342 : memref<1x16x768xf32, #tpu.memory_space<vmem>> -> memref<16x768xf32, #tpu.memory_space<vmem>>
      %dma_wait3A_344 = arith.constant 0 : i32
      %dma_wait3A_345 = arith.constant 0 : i32
      %dma_wait3A_346 = tpu.memref_slice %arg2[%dma_wait3A_344, %dma_wait3A_345] : memref<32768x768xf32, #tpu.memory_space<hbm>> -> memref<16x768xf32, #tpu.memory_space<hbm>>
      %dma_wait3A_347 = arith.constant 0 : i32
      %dma_wait3A_348 = arith.constant 0 : i32
      %dma_wait3A_349 = tpu.memref_slice %arg5[%dma_wait3A_339, %dma_wait3A_347, %dma_wait3A_348] : memref<4x16x768xf32, #tpu.memory_space<vmem>> -> memref<1x16x768xf32, #tpu.memory_space<vmem>>
      %dma_wait3A_350 = tpu.memref_squeeze %dma_wait3A_349 : memref<1x16x768xf32, #tpu.memory_space<vmem>> -> memref<16x768xf32, #tpu.memory_space<vmem>>
      %dma_wait3A_351 = arith.constant 0 : i32
      %dma_wait3A_352 = arith.constant 0 : i32
      %dma_wait3A_353 = tpu.memref_slice %arg2[%dma_wait3A_351, %dma_wait3A_352] : memref<32768x768xf32, #tpu.memory_space<hbm>> -> memref<16x768xf32, #tpu.memory_space<hbm>>
      tpu.wait_dma2 semaphore(%arg10 : memref<!tpu.dma_semaphore, #tpu.memory_space<semaphore_mem>>) src(%dma_wait3A_353 : memref<16x768xf32, #tpu.memory_space<hbm>>) dst(%dma_wait3A_350 : memref<16x768xf32, #tpu.memory_space<vmem>>)
      %scan3A_354 = arith.constant 0 : i32
      %scan3A_355 = arith.constant 0 : i32
      %scan3A_356 = arith.constant 16 : i32
      %scan3A_357 = arith.addi %scan3A_355, %scan3A_356 : i32
      %scan3A_358 = arith.constant 1 : i32
      scf.for %scan3A_676 = %scan3A_355 to %scan3A_357 step %scan3A_358  : i32 {
        %parallel_loop3A = arith.constant 0 : i32
        %parallel_loop3A_677 = arith.constant 768 : i32
        %parallel_loop3A_678 = arith.constant 16 : i32
        scf.for %parallel_loop3A_679 = %parallel_loop3A to %parallel_loop3A_677 step %parallel_loop3A_678  : i32 {
          %parallel_loop3A_680 = arith.constant 0 : i32
          %parallel_loop3A_681 = arith.index_cast %parallel_loop3A_680 : i32 to index
          %parallel_loop3A_682 = arith.index_cast %scan3A_676 : i32 to index
          %parallel_loop3A_683 = arith.index_cast %parallel_loop3A_679 : i32 to index
          %parallel_loop3A_684 = tpu.vector_load %arg6[%parallel_loop3A_681, %parallel_loop3A_682, %parallel_loop3A_683] {strides = array<i32>} : memref<2x16x768xf32, #tpu.memory_space<vmem>>, vector<1x1x16xf32>,
          %parallel_loop3A_685 = vector.shape_cast %parallel_loop3A_684 : vector<1x1x16xf32> to vector<16xf32>
          %parallel_loop3A_686 = arith.constant 3 : i32
          %parallel_loop3A_687 = arith.index_cast %parallel_loop3A_686 : i32 to index
          %parallel_loop3A_688 = arith.index_cast %scan3A_676 : i32 to index
          %parallel_loop3A_689 = arith.index_cast %parallel_loop3A_679 : i32 to index
          %parallel_loop3A_690 = tpu.vector_load %arg5[%parallel_loop3A_687, %parallel_loop3A_688, %parallel_loop3A_689] {strides = array<i32>} : memref<4x16x768xf32, #tpu.memory_space<vmem>>, vector<1x1x16xf32>,
          %parallel_loop3A_691 = vector.shape_cast %parallel_loop3A_690 : vector<1x1x16xf32> to vector<16xf32>
          %parallel_loop3A_692 = vector.shape_cast %parallel_loop3A_685 : vector<16xf32> to vector<1x1x16xf32>
          tpu.vector_store %arg5[%parallel_loop3A_687, %parallel_loop3A_688, %parallel_loop3A_689], %parallel_loop3A_692 {add = true, strides = array<i32>} : memref<4x16x768xf32, #tpu.memory_space<vmem>>, vector<1x1x16xf32>,
        } {sc.loop_unroll_factor = 8 : i64, sc.parallel_access}
      }
      %scan3A_359 = arith.constant 16 : i32
      %add3A_360 = arith.constant 24576 : i32
      %add3A_361 = arith.addi %add3A_360, %mul3A_2 : i32
      %mul3A_362 = arith.constant 16 : i32
      %mul3A_363 = arith.muli %add3A_87, %mul3A_362 : i32
      %add3A_364 = arith.addi %add3A_361, %mul3A_363 : i32
      %dma_start3A_365 = arith.constant 3 : i32
      %dma_start3A_366 = arith.constant 0 : i32
      %dma_start3A_367 = arith.constant 0 : i32
      %dma_start3A_368 = tpu.memref_slice %arg5[%dma_start3A_365, %dma_start3A_366, %dma_start3A_367] : memref<4x16x768xf32, #tpu.memory_space<vmem>> -> memref<1x16x768xf32, #tpu.memory_space<vmem>>
      %dma_start3A_369 = tpu.memref_squeeze %dma_start3A_368 : memref<1x16x768xf32, #tpu.memory_space<vmem>> -> memref<16x768xf32, #tpu.memory_space<vmem>>
      %dma_start3A_370 = arith.constant 0 : i32
      %dma_start3A_371 = tpu.memref_slice %arg4[%add3A_364, %dma_start3A_370] : memref<32768x768xf32, #tpu.memory_space<hbm>> -> memref<16x768xf32, #tpu.memory_space<hbm>>
      %dma_start3A_372 = arith.constant 0 : i32
      %dma_start3A_373 = tpu.memref_slice %arg4[%add3A_364, %dma_start3A_372] : memref<32768x768xf32, #tpu.memory_space<hbm>> -> memref<16x768xf32, #tpu.memory_space<hbm>>
      %dma_start3A_374 = arith.constant 0 : i32
      %dma_start3A_375 = arith.constant 0 : i32
      %dma_start3A_376 = tpu.memref_slice %arg5[%dma_start3A_365, %dma_start3A_374, %dma_start3A_375] : memref<4x16x768xf32, #tpu.memory_space<vmem>> -> memref<1x16x768xf32, #tpu.memory_space<vmem>>
      %dma_start3A_377 = tpu.memref_squeeze %dma_start3A_376 : memref<1x16x768xf32, #tpu.memory_space<vmem>> -> memref<16x768xf32, #tpu.memory_space<vmem>>
      tpu.enqueue_dma source(%dma_start3A_377 : memref<16x768xf32, #tpu.memory_space<vmem>>) target(%dma_start3A_373 : memref<16x768xf32, #tpu.memory_space<hbm>>) target_semaphore(%arg16 : memref<!tpu.dma_semaphore, #tpu.memory_space<semaphore_mem>>)
      %mul3A_378 = arith.constant 2 : i32
      %mul3A_379 = arith.muli %mul3A_378, %scan3A_83 : i32
      %add3A_380 = arith.constant 1 : i32
      %add3A_381 = arith.addi %mul3A_379, %add3A_380 : i32
      %dma_wait3A_382 = arith.constant 1 : i32
      %dma_wait3A_383 = arith.constant 0 : i32
      %dma_wait3A_384 = arith.constant 0 : i32
      %dma_wait3A_385 = tpu.memref_slice %arg6[%dma_wait3A_382, %dma_wait3A_383, %dma_wait3A_384] : memref<2x16x768xf32, #tpu.memory_space<vmem>> -> memref<1x16x768xf32, #tpu.memory_space<vmem>>
      %dma_wait3A_386 = tpu.memref_squeeze %dma_wait3A_385 : memref<1x16x768xf32, #tpu.memory_space<vmem>> -> memref<16x768xf32, #tpu.memory_space<vmem>>
      %dma_wait3A_387 = arith.constant 0 : i32
      %dma_wait3A_388 = arith.constant 0 : i32
      %dma_wait3A_389 = tpu.memref_slice %arg3[%dma_wait3A_387, %dma_wait3A_388] : memref<8192x768xf32, #tpu.memory_space<hbm>> -> memref<16x768xf32, #tpu.memory_space<hbm>>
      %dma_wait3A_390 = arith.constant 0 : i32
      %dma_wait3A_391 = arith.constant 0 : i32
      %dma_wait3A_392 = tpu.memref_slice %arg6[%dma_wait3A_382, %dma_wait3A_390, %dma_wait3A_391] : memref<2x16x768xf32, #tpu.memory_space<vmem>> -> memref<1x16x768xf32, #tpu.memory_space<vmem>>
      %dma_wait3A_393 = tpu.memref_squeeze %dma_wait3A_392 : memref<1x16x768xf32, #tpu.memory_space<vmem>> -> memref<16x768xf32, #tpu.memory_space<vmem>>
      %dma_wait3A_394 = arith.constant 0 : i32
      %dma_wait3A_395 = arith.constant 0 : i32
      %dma_wait3A_396 = tpu.memref_slice %arg3[%dma_wait3A_394, %dma_wait3A_395] : memref<8192x768xf32, #tpu.memory_space<hbm>> -> memref<16x768xf32, #tpu.memory_space<hbm>>
      tpu.wait_dma2 semaphore(%arg12 : memref<!tpu.dma_semaphore, #tpu.memory_space<semaphore_mem>>) src(%dma_wait3A_396 : memref<16x768xf32, #tpu.memory_space<hbm>>) dst(%dma_wait3A_393 : memref<16x768xf32, #tpu.memory_space<vmem>>)
      %lt3A = arith.constant 7 : i32
      %lt3A_397 = arith.cmpi slt, %scan3A_83, %lt3A : i32
      %convert_element_type3A_398 = arith.extui %lt3A_397 : i1 to i32
      %cond3A_399 = arith.constant 0 : i32
      %cond3A_400 = arith.cmpi ne, %convert_element_type3A_398, %cond3A_399 : i32
      scf.if %cond3A_400 {
        %add3A_676 = arith.constant 1 : i32
        %add3A_677 = arith.addi %add3A_381, %add3A_676 : i32
        %mul3A_678 = arith.constant 16 : i32
        %mul3A_679 = arith.muli %add3A_677, %mul3A_678 : i32
        %add3A_680 = arith.addi %mul3A_2, %mul3A_679 : i32
        %dma_start3A_681 = arith.constant 0 : i32
        %dma_start3A_682 = arith.constant 0 : i32
        %dma_start3A_683 = arith.constant 0 : i32
        %dma_start3A_684 = tpu.memref_slice %arg6[%dma_start3A_681, %dma_start3A_682, %dma_start3A_683] : memref<2x16x768xf32, #tpu.memory_space<vmem>> -> memref<1x16x768xf32, #tpu.memory_space<vmem>>
        %dma_start3A_685 = tpu.memref_squeeze %dma_start3A_684 : memref<1x16x768xf32, #tpu.memory_space<vmem>> -> memref<16x768xf32, #tpu.memory_space<vmem>>
        %dma_start3A_686 = arith.constant 0 : i32
        %dma_start3A_687 = tpu.memref_slice %arg3[%add3A_680, %dma_start3A_686] : memref<8192x768xf32, #tpu.memory_space<hbm>> -> memref<16x768xf32, #tpu.memory_space<hbm>>
        %dma_start3A_688 = arith.constant 0 : i32
        %dma_start3A_689 = arith.constant 0 : i32
        %dma_start3A_690 = tpu.memref_slice %arg6[%dma_start3A_681, %dma_start3A_688, %dma_start3A_689] : memref<2x16x768xf32, #tpu.memory_space<vmem>> -> memref<1x16x768xf32, #tpu.memory_space<vmem>>
        %dma_start3A_691 = tpu.memref_squeeze %dma_start3A_690 : memref<1x16x768xf32, #tpu.memory_space<vmem>> -> memref<16x768xf32, #tpu.memory_space<vmem>>
        %dma_start3A_692 = arith.constant 0 : i32
        %dma_start3A_693 = tpu.memref_slice %arg3[%add3A_680, %dma_start3A_692] : memref<8192x768xf32, #tpu.memory_space<hbm>> -> memref<16x768xf32, #tpu.memory_space<hbm>>
        tpu.enqueue_dma source(%dma_start3A_693 : memref<16x768xf32, #tpu.memory_space<hbm>>) target(%dma_start3A_691 : memref<16x768xf32, #tpu.memory_space<vmem>>) target_semaphore(%arg11 : memref<!tpu.dma_semaphore, #tpu.memory_space<semaphore_mem>>)
      } else {
      }
      %dma_wait3A_401 = arith.constant 1 : i32
      %dma_wait3A_402 = arith.constant 0 : i32
      %dma_wait3A_403 = arith.constant 0 : i32
      %dma_wait3A_404 = tpu.memref_slice %arg5[%dma_wait3A_401, %dma_wait3A_402, %dma_wait3A_403] : memref<4x16x768xf32, #tpu.memory_space<vmem>> -> memref<1x16x768xf32, #tpu.memory_space<vmem>>
      %dma_wait3A_405 = tpu.memref_squeeze %dma_wait3A_404 : memref<1x16x768xf32, #tpu.memory_space<vmem>> -> memref<16x768xf32, #tpu.memory_space<vmem>>
      %dma_wait3A_406 = arith.constant 0 : i32
      %dma_wait3A_407 = arith.constant 0 : i32
      %dma_wait3A_408 = tpu.memref_slice %arg4[%dma_wait3A_406, %dma_wait3A_407] : memref<32768x768xf32, #tpu.memory_space<hbm>> -> memref<16x768xf32, #tpu.memory_space<hbm>>
      %dma_wait3A_409 = arith.constant 0 : i32
      %dma_wait3A_410 = arith.constant 0 : i32
      %dma_wait3A_411 = tpu.memref_slice %arg4[%dma_wait3A_409, %dma_wait3A_410] : memref<32768x768xf32, #tpu.memory_space<hbm>> -> memref<16x768xf32, #tpu.memory_space<hbm>>
      %dma_wait3A_412 = arith.constant 0 : i32
      %dma_wait3A_413 = arith.constant 0 : i32
      %dma_wait3A_414 = tpu.memref_slice %arg5[%dma_wait3A_401, %dma_wait3A_412, %dma_wait3A_413] : memref<4x16x768xf32, #tpu.memory_space<vmem>> -> memref<1x16x768xf32, #tpu.memory_space<vmem>>
      %dma_wait3A_415 = tpu.memref_squeeze %dma_wait3A_414 : memref<1x16x768xf32, #tpu.memory_space<vmem>> -> memref<16x768xf32, #tpu.memory_space<vmem>>
      tpu.wait_dma2 semaphore(%arg14 : memref<!tpu.dma_semaphore, #tpu.memory_space<semaphore_mem>>) src(%dma_wait3A_415 : memref<16x768xf32, #tpu.memory_space<vmem>>) dst(%dma_wait3A_411 : memref<16x768xf32, #tpu.memory_space<hbm>>)
      %add3A_416 = arith.constant 8192 : i32
      %add3A_417 = arith.addi %add3A_416, %mul3A_2 : i32
      %mul3A_418 = arith.constant 16 : i32
      %mul3A_419 = arith.muli %add3A_381, %mul3A_418 : i32
      %add3A_420 = arith.addi %add3A_417, %mul3A_419 : i32
      %dma_start3A_421 = arith.constant 1 : i32
      %dma_start3A_422 = arith.constant 0 : i32
      %dma_start3A_423 = arith.constant 0 : i32
      %dma_start3A_424 = tpu.memref_slice %arg5[%dma_start3A_421, %dma_start3A_422, %dma_start3A_423] : memref<4x16x768xf32, #tpu.memory_space<vmem>> -> memref<1x16x768xf32, #tpu.memory_space<vmem>>
      %dma_start3A_425 = tpu.memref_squeeze %dma_start3A_424 : memref<1x16x768xf32, #tpu.memory_space<vmem>> -> memref<16x768xf32, #tpu.memory_space<vmem>>
      %dma_start3A_426 = arith.constant 0 : i32
      %dma_start3A_427 = tpu.memref_slice %arg2[%add3A_420, %dma_start3A_426] : memref<32768x768xf32, #tpu.memory_space<hbm>> -> memref<16x768xf32, #tpu.memory_space<hbm>>
      %dma_start3A_428 = arith.constant 0 : i32
      %dma_start3A_429 = arith.constant 0 : i32
      %dma_start3A_430 = tpu.memref_slice %arg5[%dma_start3A_421, %dma_start3A_428, %dma_start3A_429] : memref<4x16x768xf32, #tpu.memory_space<vmem>> -> memref<1x16x768xf32, #tpu.memory_space<vmem>>
      %dma_start3A_431 = tpu.memref_squeeze %dma_start3A_430 : memref<1x16x768xf32, #tpu.memory_space<vmem>> -> memref<16x768xf32, #tpu.memory_space<vmem>>
      %dma_start3A_432 = arith.constant 0 : i32
      %dma_start3A_433 = tpu.memref_slice %arg2[%add3A_420, %dma_start3A_432] : memref<32768x768xf32, #tpu.memory_space<hbm>> -> memref<16x768xf32, #tpu.memory_space<hbm>>
      tpu.enqueue_dma source(%dma_start3A_433 : memref<16x768xf32, #tpu.memory_space<hbm>>) target(%dma_start3A_431 : memref<16x768xf32, #tpu.memory_space<vmem>>) target_semaphore(%arg8 : memref<!tpu.dma_semaphore, #tpu.memory_space<semaphore_mem>>)
      %dma_wait3A_434 = arith.constant 0 : i32
      %dma_wait3A_435 = arith.constant 0 : i32
      %dma_wait3A_436 = arith.constant 0 : i32
      %dma_wait3A_437 = tpu.memref_slice %arg5[%dma_wait3A_434, %dma_wait3A_435, %dma_wait3A_436] : memref<4x16x768xf32, #tpu.memory_space<vmem>> -> memref<1x16x768xf32, #tpu.memory_space<vmem>>
      %dma_wait3A_438 = tpu.memref_squeeze %dma_wait3A_437 : memref<1x16x768xf32, #tpu.memory_space<vmem>> -> memref<16x768xf32, #tpu.memory_space<vmem>>
      %dma_wait3A_439 = arith.constant 0 : i32
      %dma_wait3A_440 = arith.constant 0 : i32
      %dma_wait3A_441 = tpu.memref_slice %arg2[%dma_wait3A_439, %dma_wait3A_440] : memref<32768x768xf32, #tpu.memory_space<hbm>> -> memref<16x768xf32, #tpu.memory_space<hbm>>
      %dma_wait3A_442 = arith.constant 0 : i32
      %dma_wait3A_443 = arith.constant 0 : i32
      %dma_wait3A_444 = tpu.memref_slice %arg5[%dma_wait3A_434, %dma_wait3A_442, %dma_wait3A_443] : memref<4x16x768xf32, #tpu.memory_space<vmem>> -> memref<1x16x768xf32, #tpu.memory_space<vmem>>
      %dma_wait3A_445 = tpu.memref_squeeze %dma_wait3A_444 : memref<1x16x768xf32, #tpu.memory_space<vmem>> -> memref<16x768xf32, #tpu.memory_space<vmem>>
      %dma_wait3A_446 = arith.constant 0 : i32
      %dma_wait3A_447 = arith.constant 0 : i32
      %dma_wait3A_448 = tpu.memref_slice %arg2[%dma_wait3A_446, %dma_wait3A_447] : memref<32768x768xf32, #tpu.memory_space<hbm>> -> memref<16x768xf32, #tpu.memory_space<hbm>>
      tpu.wait_dma2 semaphore(%arg7 : memref<!tpu.dma_semaphore, #tpu.memory_space<semaphore_mem>>) src(%dma_wait3A_448 : memref<16x768xf32, #tpu.memory_space<hbm>>) dst(%dma_wait3A_445 : memref<16x768xf32, #tpu.memory_space<vmem>>)
      %scan3A_449 = arith.constant 0 : i32
      %scan3A_450 = arith.constant 0 : i32
      %scan3A_451 = arith.constant 16 : i32
      %scan3A_452 = arith.addi %scan3A_450, %scan3A_451 : i32
      %scan3A_453 = arith.constant 1 : i32
      scf.for %scan3A_676 = %scan3A_450 to %scan3A_452 step %scan3A_453  : i32 {
        %parallel_loop3A = arith.constant 0 : i32
        %parallel_loop3A_677 = arith.constant 768 : i32
        %parallel_loop3A_678 = arith.constant 16 : i32
        scf.for %parallel_loop3A_679 = %parallel_loop3A to %parallel_loop3A_677 step %parallel_loop3A_678  : i32 {
          %parallel_loop3A_680 = arith.constant 1 : i32
          %parallel_loop3A_681 = arith.index_cast %parallel_loop3A_680 : i32 to index
          %parallel_loop3A_682 = arith.index_cast %scan3A_676 : i32 to index
          %parallel_loop3A_683 = arith.index_cast %parallel_loop3A_679 : i32 to index
          %parallel_loop3A_684 = tpu.vector_load %arg6[%parallel_loop3A_681, %parallel_loop3A_682, %parallel_loop3A_683] {strides = array<i32>} : memref<2x16x768xf32, #tpu.memory_space<vmem>>, vector<1x1x16xf32>,
          %parallel_loop3A_685 = vector.shape_cast %parallel_loop3A_684 : vector<1x1x16xf32> to vector<16xf32>
          %parallel_loop3A_686 = arith.constant 0 : i32
          %parallel_loop3A_687 = arith.index_cast %parallel_loop3A_686 : i32 to index
          %parallel_loop3A_688 = arith.index_cast %scan3A_676 : i32 to index
          %parallel_loop3A_689 = arith.index_cast %parallel_loop3A_679 : i32 to index
          %parallel_loop3A_690 = tpu.vector_load %arg5[%parallel_loop3A_687, %parallel_loop3A_688, %parallel_loop3A_689] {strides = array<i32>} : memref<4x16x768xf32, #tpu.memory_space<vmem>>, vector<1x1x16xf32>,
          %parallel_loop3A_691 = vector.shape_cast %parallel_loop3A_690 : vector<1x1x16xf32> to vector<16xf32>
          %parallel_loop3A_692 = vector.shape_cast %parallel_loop3A_685 : vector<16xf32> to vector<1x1x16xf32>
          tpu.vector_store %arg5[%parallel_loop3A_687, %parallel_loop3A_688, %parallel_loop3A_689], %parallel_loop3A_692 {add = true, strides = array<i32>} : memref<4x16x768xf32, #tpu.memory_space<vmem>>, vector<1x1x16xf32>,
        } {sc.loop_unroll_factor = 8 : i64, sc.parallel_access}
      }
      %scan3A_454 = arith.constant 16 : i32
      %add3A_455 = arith.constant 0 : i32
      %add3A_456 = arith.addi %add3A_455, %mul3A_2 : i32
      %mul3A_457 = arith.constant 16 : i32
      %mul3A_458 = arith.muli %add3A_381, %mul3A_457 : i32
      %add3A_459 = arith.addi %add3A_456, %mul3A_458 : i32
      %dma_start3A_460 = arith.constant 0 : i32
      %dma_start3A_461 = arith.constant 0 : i32
      %dma_start3A_462 = arith.constant 0 : i32
      %dma_start3A_463 = tpu.memref_slice %arg5[%dma_start3A_460, %dma_start3A_461, %dma_start3A_462] : memref<4x16x768xf32, #tpu.memory_space<vmem>> -> memref<1x16x768xf32, #tpu.memory_space<vmem>>
      %dma_start3A_464 = tpu.memref_squeeze %dma_start3A_463 : memref<1x16x768xf32, #tpu.memory_space<vmem>> -> memref<16x768xf32, #tpu.memory_space<vmem>>
      %dma_start3A_465 = arith.constant 0 : i32
      %dma_start3A_466 = tpu.memref_slice %arg4[%add3A_459, %dma_start3A_465] : memref<32768x768xf32, #tpu.memory_space<hbm>> -> memref<16x768xf32, #tpu.memory_space<hbm>>
      %dma_start3A_467 = arith.constant 0 : i32
      %dma_start3A_468 = tpu.memref_slice %arg4[%add3A_459, %dma_start3A_467] : memref<32768x768xf32, #tpu.memory_space<hbm>> -> memref<16x768xf32, #tpu.memory_space<hbm>>
      %dma_start3A_469 = arith.constant 0 : i32
      %dma_start3A_470 = arith.constant 0 : i32
      %dma_start3A_471 = tpu.memref_slice %arg5[%dma_start3A_460, %dma_start3A_469, %dma_start3A_470] : memref<4x16x768xf32, #tpu.memory_space<vmem>> -> memref<1x16x768xf32, #tpu.memory_space<vmem>>
      %dma_start3A_472 = tpu.memref_squeeze %dma_start3A_471 : memref<1x16x768xf32, #tpu.memory_space<vmem>> -> memref<16x768xf32, #tpu.memory_space<vmem>>
      tpu.enqueue_dma source(%dma_start3A_472 : memref<16x768xf32, #tpu.memory_space<vmem>>) target(%dma_start3A_468 : memref<16x768xf32, #tpu.memory_space<hbm>>) target_semaphore(%arg13 : memref<!tpu.dma_semaphore, #tpu.memory_space<semaphore_mem>>)
      %dma_wait3A_473 = arith.constant 2 : i32
      %dma_wait3A_474 = arith.constant 0 : i32
      %dma_wait3A_475 = arith.constant 0 : i32
      %dma_wait3A_476 = tpu.memref_slice %arg5[%dma_wait3A_473, %dma_wait3A_474, %dma_wait3A_475] : memref<4x16x768xf32, #tpu.memory_space<vmem>> -> memref<1x16x768xf32, #tpu.memory_space<vmem>>
      %dma_wait3A_477 = tpu.memref_squeeze %dma_wait3A_476 : memref<1x16x768xf32, #tpu.memory_space<vmem>> -> memref<16x768xf32, #tpu.memory_space<vmem>>
      %dma_wait3A_478 = arith.constant 0 : i32
      %dma_wait3A_479 = arith.constant 0 : i32
      %dma_wait3A_480 = tpu.memref_slice %arg4[%dma_wait3A_478, %dma_wait3A_479] : memref<32768x768xf32, #tpu.memory_space<hbm>> -> memref<16x768xf32, #tpu.memory_space<hbm>>
      %dma_wait3A_481 = arith.constant 0 : i32
      %dma_wait3A_482 = arith.constant 0 : i32
      %dma_wait3A_483 = tpu.memref_slice %arg4[%dma_wait3A_481, %dma_wait3A_482] : memref<32768x768xf32, #tpu.memory_space<hbm>> -> memref<16x768xf32, #tpu.memory_space<hbm>>
      %dma_wait3A_484 = arith.constant 0 : i32
      %dma_wait3A_485 = arith.constant 0 : i32
      %dma_wait3A_486 = tpu.memref_slice %arg5[%dma_wait3A_473, %dma_wait3A_484, %dma_wait3A_485] : memref<4x16x768xf32, #tpu.memory_space<vmem>> -> memref<1x16x768xf32, #tpu.memory_space<vmem>>
      %dma_wait3A_487 = tpu.memref_squeeze %dma_wait3A_486 : memref<1x16x768xf32, #tpu.memory_space<vmem>> -> memref<16x768xf32, #tpu.memory_space<vmem>>
      tpu.wait_dma2 semaphore(%arg15 : memref<!tpu.dma_semaphore, #tpu.memory_space<semaphore_mem>>) src(%dma_wait3A_487 : memref<16x768xf32, #tpu.memory_space<vmem>>) dst(%dma_wait3A_483 : memref<16x768xf32, #tpu.memory_space<hbm>>)
      %add3A_488 = arith.constant 16384 : i32
      %add3A_489 = arith.addi %add3A_488, %mul3A_2 : i32
      %mul3A_490 = arith.constant 16 : i32
      %mul3A_491 = arith.muli %add3A_381, %mul3A_490 : i32
      %add3A_492 = arith.addi %add3A_489, %mul3A_491 : i32
      %dma_start3A_493 = arith.constant 2 : i32
      %dma_start3A_494 = arith.constant 0 : i32
      %dma_start3A_495 = arith.constant 0 : i32
      %dma_start3A_496 = tpu.memref_slice %arg5[%dma_start3A_493, %dma_start3A_494, %dma_start3A_495] : memref<4x16x768xf32, #tpu.memory_space<vmem>> -> memref<1x16x768xf32, #tpu.memory_space<vmem>>
      %dma_start3A_497 = tpu.memref_squeeze %dma_start3A_496 : memref<1x16x768xf32, #tpu.memory_space<vmem>> -> memref<16x768xf32, #tpu.memory_space<vmem>>
      %dma_start3A_498 = arith.constant 0 : i32
      %dma_start3A_499 = tpu.memref_slice %arg2[%add3A_492, %dma_start3A_498] : memref<32768x768xf32, #tpu.memory_space<hbm>> -> memref<16x768xf32, #tpu.memory_space<hbm>>
      %dma_start3A_500 = arith.constant 0 : i32
      %dma_start3A_501 = arith.constant 0 : i32
      %dma_start3A_502 = tpu.memref_slice %arg5[%dma_start3A_493, %dma_start3A_500, %dma_start3A_501] : memref<4x16x768xf32, #tpu.memory_space<vmem>> -> memref<1x16x768xf32, #tpu.memory_space<vmem>>
      %dma_start3A_503 = tpu.memref_squeeze %dma_start3A_502 : memref<1x16x768xf32, #tpu.memory_space<vmem>> -> memref<16x768xf32, #tpu.memory_space<vmem>>
      %dma_start3A_504 = arith.constant 0 : i32
      %dma_start3A_505 = tpu.memref_slice %arg2[%add3A_492, %dma_start3A_504] : memref<32768x768xf32, #tpu.memory_space<hbm>> -> memref<16x768xf32, #tpu.memory_space<hbm>>
      tpu.enqueue_dma source(%dma_start3A_505 : memref<16x768xf32, #tpu.memory_space<hbm>>) target(%dma_start3A_503 : memref<16x768xf32, #tpu.memory_space<vmem>>) target_semaphore(%arg9 : memref<!tpu.dma_semaphore, #tpu.memory_space<semaphore_mem>>)
      %dma_wait3A_506 = arith.constant 1 : i32
      %dma_wait3A_507 = arith.constant 0 : i32
      %dma_wait3A_508 = arith.constant 0 : i32
      %dma_wait3A_509 = tpu.memref_slice %arg5[%dma_wait3A_506, %dma_wait3A_507, %dma_wait3A_508] : memref<4x16x768xf32, #tpu.memory_space<vmem>> -> memref<1x16x768xf32, #tpu.memory_space<vmem>>
      %dma_wait3A_510 = tpu.memref_squeeze %dma_wait3A_509 : memref<1x16x768xf32, #tpu.memory_space<vmem>> -> memref<16x768xf32, #tpu.memory_space<vmem>>
      %dma_wait3A_511 = arith.constant 0 : i32
      %dma_wait3A_512 = arith.constant 0 : i32
      %dma_wait3A_513 = tpu.memref_slice %arg2[%dma_wait3A_511, %dma_wait3A_512] : memref<32768x768xf32, #tpu.memory_space<hbm>> -> memref<16x768xf32, #tpu.memory_space<hbm>>
      %dma_wait3A_514 = arith.constant 0 : i32
      %dma_wait3A_515 = arith.constant 0 : i32
      %dma_wait3A_516 = tpu.memref_slice %arg5[%dma_wait3A_506, %dma_wait3A_514, %dma_wait3A_515] : memref<4x16x768xf32, #tpu.memory_space<vmem>> -> memref<1x16x768xf32, #tpu.memory_space<vmem>>
      %dma_wait3A_517 = tpu.memref_squeeze %dma_wait3A_516 : memref<1x16x768xf32, #tpu.memory_space<vmem>> -> memref<16x768xf32, #tpu.memory_space<vmem>>
      %dma_wait3A_518 = arith.constant 0 : i32
      %dma_wait3A_519 = arith.constant 0 : i32
      %dma_wait3A_520 = tpu.memref_slice %arg2[%dma_wait3A_518, %dma_wait3A_519] : memref<32768x768xf32, #tpu.memory_space<hbm>> -> memref<16x768xf32, #tpu.memory_space<hbm>>
      tpu.wait_dma2 semaphore(%arg8 : memref<!tpu.dma_semaphore, #tpu.memory_space<semaphore_mem>>) src(%dma_wait3A_520 : memref<16x768xf32, #tpu.memory_space<hbm>>) dst(%dma_wait3A_517 : memref<16x768xf32, #tpu.memory_space<vmem>>)
      %scan3A_521 = arith.constant 0 : i32
      %scan3A_522 = arith.constant 0 : i32
      %scan3A_523 = arith.constant 16 : i32
      %scan3A_524 = arith.addi %scan3A_522, %scan3A_523 : i32
      %scan3A_525 = arith.constant 1 : i32
      scf.for %scan3A_676 = %scan3A_522 to %scan3A_524 step %scan3A_525  : i32 {
        %parallel_loop3A = arith.constant 0 : i32
        %parallel_loop3A_677 = arith.constant 768 : i32
        %parallel_loop3A_678 = arith.constant 16 : i32
        scf.for %parallel_loop3A_679 = %parallel_loop3A to %parallel_loop3A_677 step %parallel_loop3A_678  : i32 {
          %parallel_loop3A_680 = arith.constant 1 : i32
          %parallel_loop3A_681 = arith.index_cast %parallel_loop3A_680 : i32 to index
          %parallel_loop3A_682 = arith.index_cast %scan3A_676 : i32 to index
          %parallel_loop3A_683 = arith.index_cast %parallel_loop3A_679 : i32 to index
          %parallel_loop3A_684 = tpu.vector_load %arg6[%parallel_loop3A_681, %parallel_loop3A_682, %parallel_loop3A_683] {strides = array<i32>} : memref<2x16x768xf32, #tpu.memory_space<vmem>>, vector<1x1x16xf32>,
          %parallel_loop3A_685 = vector.shape_cast %parallel_loop3A_684 : vector<1x1x16xf32> to vector<16xf32>
          %parallel_loop3A_686 = arith.constant 1 : i32
          %parallel_loop3A_687 = arith.index_cast %parallel_loop3A_686 : i32 to index
          %parallel_loop3A_688 = arith.index_cast %scan3A_676 : i32 to index
          %parallel_loop3A_689 = arith.index_cast %parallel_loop3A_679 : i32 to index
          %parallel_loop3A_690 = tpu.vector_load %arg5[%parallel_loop3A_687, %parallel_loop3A_688, %parallel_loop3A_689] {strides = array<i32>} : memref<4x16x768xf32, #tpu.memory_space<vmem>>, vector<1x1x16xf32>,
          %parallel_loop3A_691 = vector.shape_cast %parallel_loop3A_690 : vector<1x1x16xf32> to vector<16xf32>
          %parallel_loop3A_692 = vector.shape_cast %parallel_loop3A_685 : vector<16xf32> to vector<1x1x16xf32>
          tpu.vector_store %arg5[%parallel_loop3A_687, %parallel_loop3A_688, %parallel_loop3A_689], %parallel_loop3A_692 {add = true, strides = array<i32>} : memref<4x16x768xf32, #tpu.memory_space<vmem>>, vector<1x1x16xf32>,
        } {sc.loop_unroll_factor = 8 : i64, sc.parallel_access}
      }
      %scan3A_526 = arith.constant 16 : i32
      %add3A_527 = arith.constant 8192 : i32
      %add3A_528 = arith.addi %add3A_527, %mul3A_2 : i32
      %mul3A_529 = arith.constant 16 : i32
      %mul3A_530 = arith.muli %add3A_381, %mul3A_529 : i32
      %add3A_531 = arith.addi %add3A_528, %mul3A_530 : i32
      %dma_start3A_532 = arith.constant 1 : i32
      %dma_start3A_533 = arith.constant 0 : i32
      %dma_start3A_534 = arith.constant 0 : i32
      %dma_start3A_535 = tpu.memref_slice %arg5[%dma_start3A_532, %dma_start3A_533, %dma_start3A_534] : memref<4x16x768xf32, #tpu.memory_space<vmem>> -> memref<1x16x768xf32, #tpu.memory_space<vmem>>
      %dma_start3A_536 = tpu.memref_squeeze %dma_start3A_535 : memref<1x16x768xf32, #tpu.memory_space<vmem>> -> memref<16x768xf32, #tpu.memory_space<vmem>>
      %dma_start3A_537 = arith.constant 0 : i32
      %dma_start3A_538 = tpu.memref_slice %arg4[%add3A_531, %dma_start3A_537] : memref<32768x768xf32, #tpu.memory_space<hbm>> -> memref<16x768xf32, #tpu.memory_space<hbm>>
      %dma_start3A_539 = arith.constant 0 : i32
      %dma_start3A_540 = tpu.memref_slice %arg4[%add3A_531, %dma_start3A_539] : memref<32768x768xf32, #tpu.memory_space<hbm>> -> memref<16x768xf32, #tpu.memory_space<hbm>>
      %dma_start3A_541 = arith.constant 0 : i32
      %dma_start3A_542 = arith.constant 0 : i32
      %dma_start3A_543 = tpu.memref_slice %arg5[%dma_start3A_532, %dma_start3A_541, %dma_start3A_542] : memref<4x16x768xf32, #tpu.memory_space<vmem>> -> memref<1x16x768xf32, #tpu.memory_space<vmem>>
      %dma_start3A_544 = tpu.memref_squeeze %dma_start3A_543 : memref<1x16x768xf32, #tpu.memory_space<vmem>> -> memref<16x768xf32, #tpu.memory_space<vmem>>
      tpu.enqueue_dma source(%dma_start3A_544 : memref<16x768xf32, #tpu.memory_space<vmem>>) target(%dma_start3A_540 : memref<16x768xf32, #tpu.memory_space<hbm>>) target_semaphore(%arg14 : memref<!tpu.dma_semaphore, #tpu.memory_space<semaphore_mem>>)
      %dma_wait3A_545 = arith.constant 3 : i32
      %dma_wait3A_546 = arith.constant 0 : i32
      %dma_wait3A_547 = arith.constant 0 : i32
      %dma_wait3A_548 = tpu.memref_slice %arg5[%dma_wait3A_545, %dma_wait3A_546, %dma_wait3A_547] : memref<4x16x768xf32, #tpu.memory_space<vmem>> -> memref<1x16x768xf32, #tpu.memory_space<vmem>>
      %dma_wait3A_549 = tpu.memref_squeeze %dma_wait3A_548 : memref<1x16x768xf32, #tpu.memory_space<vmem>> -> memref<16x768xf32, #tpu.memory_space<vmem>>
      %dma_wait3A_550 = arith.constant 0 : i32
      %dma_wait3A_551 = arith.constant 0 : i32
      %dma_wait3A_552 = tpu.memref_slice %arg4[%dma_wait3A_550, %dma_wait3A_551] : memref<32768x768xf32, #tpu.memory_space<hbm>> -> memref<16x768xf32, #tpu.memory_space<hbm>>
      %dma_wait3A_553 = arith.constant 0 : i32
      %dma_wait3A_554 = arith.constant 0 : i32
      %dma_wait3A_555 = tpu.memref_slice %arg4[%dma_wait3A_553, %dma_wait3A_554] : memref<32768x768xf32, #tpu.memory_space<hbm>> -> memref<16x768xf32, #tpu.memory_space<hbm>>
      %dma_wait3A_556 = arith.constant 0 : i32
      %dma_wait3A_557 = arith.constant 0 : i32
      %dma_wait3A_558 = tpu.memref_slice %arg5[%dma_wait3A_545, %dma_wait3A_556, %dma_wait3A_557] : memref<4x16x768xf32, #tpu.memory_space<vmem>> -> memref<1x16x768xf32, #tpu.memory_space<vmem>>
      %dma_wait3A_559 = tpu.memref_squeeze %dma_wait3A_558 : memref<1x16x768xf32, #tpu.memory_space<vmem>> -> memref<16x768xf32, #tpu.memory_space<vmem>>
      tpu.wait_dma2 semaphore(%arg16 : memref<!tpu.dma_semaphore, #tpu.memory_space<semaphore_mem>>) src(%dma_wait3A_559 : memref<16x768xf32, #tpu.memory_space<vmem>>) dst(%dma_wait3A_555 : memref<16x768xf32, #tpu.memory_space<hbm>>)
      %add3A_560 = arith.constant 24576 : i32
      %add3A_561 = arith.addi %add3A_560, %mul3A_2 : i32
      %mul3A_562 = arith.constant 16 : i32
      %mul3A_563 = arith.muli %add3A_381, %mul3A_562 : i32
      %add3A_564 = arith.addi %add3A_561, %mul3A_563 : i32
      %dma_start3A_565 = arith.constant 3 : i32
      %dma_start3A_566 = arith.constant 0 : i32
      %dma_start3A_567 = arith.constant 0 : i32
      %dma_start3A_568 = tpu.memref_slice %arg5[%dma_start3A_565, %dma_start3A_566, %dma_start3A_567] : memref<4x16x768xf32, #tpu.memory_space<vmem>> -> memref<1x16x768xf32, #tpu.memory_space<vmem>>
      %dma_start3A_569 = tpu.memref_squeeze %dma_start3A_568 : memref<1x16x768xf32, #tpu.memory_space<vmem>> -> memref<16x768xf32, #tpu.memory_space<vmem>>
      %dma_start3A_570 = arith.constant 0 : i32
      %dma_start3A_571 = tpu.memref_slice %arg2[%add3A_564, %dma_start3A_570] : memref<32768x768xf32, #tpu.memory_space<hbm>> -> memref<16x768xf32, #tpu.memory_space<hbm>>
      %dma_start3A_572 = arith.constant 0 : i32
      %dma_start3A_573 = arith.constant 0 : i32
      %dma_start3A_574 = tpu.memref_slice %arg5[%dma_start3A_565, %dma_start3A_572, %dma_start3A_573] : memref<4x16x768xf32, #tpu.memory_space<vmem>> -> memref<1x16x768xf32, #tpu.memory_space<vmem>>
      %dma_start3A_575 = tpu.memref_squeeze %dma_start3A_574 : memref<1x16x768xf32, #tpu.memory_space<vmem>> -> memref<16x768xf32, #tpu.memory_space<vmem>>
      %dma_start3A_576 = arith.constant 0 : i32
      %dma_start3A_577 = tpu.memref_slice %arg2[%add3A_564, %dma_start3A_576] : memref<32768x768xf32, #tpu.memory_space<hbm>> -> memref<16x768xf32, #tpu.memory_space<hbm>>
      tpu.enqueue_dma source(%dma_start3A_577 : memref<16x768xf32, #tpu.memory_space<hbm>>) target(%dma_start3A_575 : memref<16x768xf32, #tpu.memory_space<vmem>>) target_semaphore(%arg10 : memref<!tpu.dma_semaphore, #tpu.memory_space<semaphore_mem>>)
      %dma_wait3A_578 = arith.constant 2 : i32
      %dma_wait3A_579 = arith.constant 0 : i32
      %dma_wait3A_580 = arith.constant 0 : i32
      %dma_wait3A_581 = tpu.memref_slice %arg5[%dma_wait3A_578, %dma_wait3A_579, %dma_wait3A_580] : memref<4x16x768xf32, #tpu.memory_space<vmem>> -> memref<1x16x768xf32, #tpu.memory_space<vmem>>
      %dma_wait3A_582 = tpu.memref_squeeze %dma_wait3A_581 : memref<1x16x768xf32, #tpu.memory_space<vmem>> -> memref<16x768xf32, #tpu.memory_space<vmem>>
      %dma_wait3A_583 = arith.constant 0 : i32
      %dma_wait3A_584 = arith.constant 0 : i32
      %dma_wait3A_585 = tpu.memref_slice %arg2[%dma_wait3A_583, %dma_wait3A_584] : memref<32768x768xf32, #tpu.memory_space<hbm>> -> memref<16x768xf32, #tpu.memory_space<hbm>>
      %dma_wait3A_586 = arith.constant 0 : i32
      %dma_wait3A_587 = arith.constant 0 : i32
      %dma_wait3A_588 = tpu.memref_slice %arg5[%dma_wait3A_578, %dma_wait3A_586, %dma_wait3A_587] : memref<4x16x768xf32, #tpu.memory_space<vmem>> -> memref<1x16x768xf32, #tpu.memory_space<vmem>>
      %dma_wait3A_589 = tpu.memref_squeeze %dma_wait3A_588 : memref<1x16x768xf32, #tpu.memory_space<vmem>> -> memref<16x768xf32, #tpu.memory_space<vmem>>
      %dma_wait3A_590 = arith.constant 0 : i32
      %dma_wait3A_591 = arith.constant 0 : i32
      %dma_wait3A_592 = tpu.memref_slice %arg2[%dma_wait3A_590, %dma_wait3A_591] : memref<32768x768xf32, #tpu.memory_space<hbm>> -> memref<16x768xf32, #tpu.memory_space<hbm>>
      tpu.wait_dma2 semaphore(%arg9 : memref<!tpu.dma_semaphore, #tpu.memory_space<semaphore_mem>>) src(%dma_wait3A_592 : memref<16x768xf32, #tpu.memory_space<hbm>>) dst(%dma_wait3A_589 : memref<16x768xf32, #tpu.memory_space<vmem>>)
      %scan3A_593 = arith.constant 0 : i32
      %scan3A_594 = arith.constant 0 : i32
      %scan3A_595 = arith.constant 16 : i32
      %scan3A_596 = arith.addi %scan3A_594, %scan3A_595 : i32
      %scan3A_597 = arith.constant 1 : i32
      scf.for %scan3A_676 = %scan3A_594 to %scan3A_596 step %scan3A_597  : i32 {
        %parallel_loop3A = arith.constant 0 : i32
        %parallel_loop3A_677 = arith.constant 768 : i32
        %parallel_loop3A_678 = arith.constant 16 : i32
        scf.for %parallel_loop3A_679 = %parallel_loop3A to %parallel_loop3A_677 step %parallel_loop3A_678  : i32 {
          %parallel_loop3A_680 = arith.constant 1 : i32
          %parallel_loop3A_681 = arith.index_cast %parallel_loop3A_680 : i32 to index
          %parallel_loop3A_682 = arith.index_cast %scan3A_676 : i32 to index
          %parallel_loop3A_683 = arith.index_cast %parallel_loop3A_679 : i32 to index
          %parallel_loop3A_684 = tpu.vector_load %arg6[%parallel_loop3A_681, %parallel_loop3A_682, %parallel_loop3A_683] {strides = array<i32>} : memref<2x16x768xf32, #tpu.memory_space<vmem>>, vector<1x1x16xf32>,
          %parallel_loop3A_685 = vector.shape_cast %parallel_loop3A_684 : vector<1x1x16xf32> to vector<16xf32>
          %parallel_loop3A_686 = arith.constant 2 : i32
          %parallel_loop3A_687 = arith.index_cast %parallel_loop3A_686 : i32 to index
          %parallel_loop3A_688 = arith.index_cast %scan3A_676 : i32 to index
          %parallel_loop3A_689 = arith.index_cast %parallel_loop3A_679 : i32 to index
          %parallel_loop3A_690 = tpu.vector_load %arg5[%parallel_loop3A_687, %parallel_loop3A_688, %parallel_loop3A_689] {strides = array<i32>} : memref<4x16x768xf32, #tpu.memory_space<vmem>>, vector<1x1x16xf32>,
          %parallel_loop3A_691 = vector.shape_cast %parallel_loop3A_690 : vector<1x1x16xf32> to vector<16xf32>
          %parallel_loop3A_692 = vector.shape_cast %parallel_loop3A_685 : vector<16xf32> to vector<1x1x16xf32>
          tpu.vector_store %arg5[%parallel_loop3A_687, %parallel_loop3A_688, %parallel_loop3A_689], %parallel_loop3A_692 {add = true, strides = array<i32>} : memref<4x16x768xf32, #tpu.memory_space<vmem>>, vector<1x1x16xf32>,
        } {sc.loop_unroll_factor = 8 : i64, sc.parallel_access}
      }
      %scan3A_598 = arith.constant 16 : i32
      %add3A_599 = arith.constant 16384 : i32
      %add3A_600 = arith.addi %add3A_599, %mul3A_2 : i32
      %mul3A_601 = arith.constant 16 : i32
      %mul3A_602 = arith.muli %add3A_381, %mul3A_601 : i32
      %add3A_603 = arith.addi %add3A_600, %mul3A_602 : i32
      %dma_start3A_604 = arith.constant 2 : i32
      %dma_start3A_605 = arith.constant 0 : i32
      %dma_start3A_606 = arith.constant 0 : i32
      %dma_start3A_607 = tpu.memref_slice %arg5[%dma_start3A_604, %dma_start3A_605, %dma_start3A_606] : memref<4x16x768xf32, #tpu.memory_space<vmem>> -> memref<1x16x768xf32, #tpu.memory_space<vmem>>
      %dma_start3A_608 = tpu.memref_squeeze %dma_start3A_607 : memref<1x16x768xf32, #tpu.memory_space<vmem>> -> memref<16x768xf32, #tpu.memory_space<vmem>>
      %dma_start3A_609 = arith.constant 0 : i32
      %dma_start3A_610 = tpu.memref_slice %arg4[%add3A_603, %dma_start3A_609] : memref<32768x768xf32, #tpu.memory_space<hbm>> -> memref<16x768xf32, #tpu.memory_space<hbm>>
      %dma_start3A_611 = arith.constant 0 : i32
      %dma_start3A_612 = tpu.memref_slice %arg4[%add3A_603, %dma_start3A_611] : memref<32768x768xf32, #tpu.memory_space<hbm>> -> memref<16x768xf32, #tpu.memory_space<hbm>>
      %dma_start3A_613 = arith.constant 0 : i32
      %dma_start3A_614 = arith.constant 0 : i32
      %dma_start3A_615 = tpu.memref_slice %arg5[%dma_start3A_604, %dma_start3A_613, %dma_start3A_614] : memref<4x16x768xf32, #tpu.memory_space<vmem>> -> memref<1x16x768xf32, #tpu.memory_space<vmem>>
      %dma_start3A_616 = tpu.memref_squeeze %dma_start3A_615 : memref<1x16x768xf32, #tpu.memory_space<vmem>> -> memref<16x768xf32, #tpu.memory_space<vmem>>
      tpu.enqueue_dma source(%dma_start3A_616 : memref<16x768xf32, #tpu.memory_space<vmem>>) target(%dma_start3A_612 : memref<16x768xf32, #tpu.memory_space<hbm>>) target_semaphore(%arg15 : memref<!tpu.dma_semaphore, #tpu.memory_space<semaphore_mem>>)
      %dma_wait3A_617 = arith.constant 0 : i32
      %dma_wait3A_618 = arith.constant 0 : i32
      %dma_wait3A_619 = arith.constant 0 : i32
      %dma_wait3A_620 = tpu.memref_slice %arg5[%dma_wait3A_617, %dma_wait3A_618, %dma_wait3A_619] : memref<4x16x768xf32, #tpu.memory_space<vmem>> -> memref<1x16x768xf32, #tpu.memory_space<vmem>>
      %dma_wait3A_621 = tpu.memref_squeeze %dma_wait3A_620 : memref<1x16x768xf32, #tpu.memory_space<vmem>> -> memref<16x768xf32, #tpu.memory_space<vmem>>
      %dma_wait3A_622 = arith.constant 0 : i32
      %dma_wait3A_623 = arith.constant 0 : i32
      %dma_wait3A_624 = tpu.memref_slice %arg4[%dma_wait3A_622, %dma_wait3A_623] : memref<32768x768xf32, #tpu.memory_space<hbm>> -> memref<16x768xf32, #tpu.memory_space<hbm>>
      %dma_wait3A_625 = arith.constant 0 : i32
      %dma_wait3A_626 = arith.constant 0 : i32
      %dma_wait3A_627 = tpu.memref_slice %arg4[%dma_wait3A_625, %dma_wait3A_626] : memref<32768x768xf32, #tpu.memory_space<hbm>> -> memref<16x768xf32, #tpu.memory_space<hbm>>
      %dma_wait3A_628 = arith.constant 0 : i32
      %dma_wait3A_629 = arith.constant 0 : i32
      %dma_wait3A_630 = tpu.memref_slice %arg5[%dma_wait3A_617, %dma_wait3A_628, %dma_wait3A_629] : memref<4x16x768xf32, #tpu.memory_space<vmem>> -> memref<1x16x768xf32, #tpu.memory_space<vmem>>
      %dma_wait3A_631 = tpu.memref_squeeze %dma_wait3A_630 : memref<1x16x768xf32, #tpu.memory_space<vmem>> -> memref<16x768xf32, #tpu.memory_space<vmem>>
      tpu.wait_dma2 semaphore(%arg13 : memref<!tpu.dma_semaphore, #tpu.memory_space<semaphore_mem>>) src(%dma_wait3A_631 : memref<16x768xf32, #tpu.memory_space<vmem>>) dst(%dma_wait3A_627 : memref<16x768xf32, #tpu.memory_space<hbm>>)
      %lt3A_632 = arith.constant 7 : i32
      %lt3A_633 = arith.cmpi slt, %scan3A_83, %lt3A_632 : i32
      %convert_element_type3A_634 = arith.extui %lt3A_633 : i1 to i32
      %cond3A_635 = arith.constant 0 : i32
      %cond3A_636 = arith.cmpi ne, %convert_element_type3A_634, %cond3A_635 : i32
      scf.if %cond3A_636 {
        %add3A_676 = arith.constant 1 : i32
        %add3A_677 = arith.addi %add3A_381, %add3A_676 : i32
        %add3A_678 = arith.constant 0 : i32
        %add3A_679 = arith.addi %add3A_678, %mul3A_2 : i32
        %mul3A_680 = arith.constant 16 : i32
        %mul3A_681 = arith.muli %add3A_677, %mul3A_680 : i32
        %add3A_682 = arith.addi %add3A_679, %mul3A_681 : i32
        %dma_start3A_683 = arith.constant 0 : i32
        %dma_start3A_684 = arith.constant 0 : i32
        %dma_start3A_685 = arith.constant 0 : i32
        %dma_start3A_686 = tpu.memref_slice %arg5[%dma_start3A_683, %dma_start3A_684, %dma_start3A_685] : memref<4x16x768xf32, #tpu.memory_space<vmem>> -> memref<1x16x768xf32, #tpu.memory_space<vmem>>
        %dma_start3A_687 = tpu.memref_squeeze %dma_start3A_686 : memref<1x16x768xf32, #tpu.memory_space<vmem>> -> memref<16x768xf32, #tpu.memory_space<vmem>>
        %dma_start3A_688 = arith.constant 0 : i32
        %dma_start3A_689 = tpu.memref_slice %arg2[%add3A_682, %dma_start3A_688] : memref<32768x768xf32, #tpu.memory_space<hbm>> -> memref<16x768xf32, #tpu.memory_space<hbm>>
        %dma_start3A_690 = arith.constant 0 : i32
        %dma_start3A_691 = arith.constant 0 : i32
        %dma_start3A_692 = tpu.memref_slice %arg5[%dma_start3A_683, %dma_start3A_690, %dma_start3A_691] : memref<4x16x768xf32, #tpu.memory_space<vmem>> -> memref<1x16x768xf32, #tpu.memory_space<vmem>>
        %dma_start3A_693 = tpu.memref_squeeze %dma_start3A_692 : memref<1x16x768xf32, #tpu.memory_space<vmem>> -> memref<16x768xf32, #tpu.memory_space<vmem>>
        %dma_start3A_694 = arith.constant 0 : i32
        %dma_start3A_695 = tpu.memref_slice %arg2[%add3A_682, %dma_start3A_694] : memref<32768x768xf32, #tpu.memory_space<hbm>> -> memref<16x768xf32, #tpu.memory_space<hbm>>
        tpu.enqueue_dma source(%dma_start3A_695 : memref<16x768xf32, #tpu.memory_space<hbm>>) target(%dma_start3A_693 : memref<16x768xf32, #tpu.memory_space<vmem>>) target_semaphore(%arg7 : memref<!tpu.dma_semaphore, #tpu.memory_space<semaphore_mem>>)
      } else {
      }
      %dma_wait3A_637 = arith.constant 3 : i32
      %dma_wait3A_638 = arith.constant 0 : i32
      %dma_wait3A_639 = arith.constant 0 : i32
      %dma_wait3A_640 = tpu.memref_slice %arg5[%dma_wait3A_637, %dma_wait3A_638, %dma_wait3A_639] : memref<4x16x768xf32, #tpu.memory_space<vmem>> -> memref<1x16x768xf32, #tpu.memory_space<vmem>>
      %dma_wait3A_641 = tpu.memref_squeeze %dma_wait3A_640 : memref<1x16x768xf32, #tpu.memory_space<vmem>> -> memref<16x768xf32, #tpu.memory_space<vmem>>
      %dma_wait3A_642 = arith.constant 0 : i32
      %dma_wait3A_643 = arith.constant 0 : i32
      %dma_wait3A_644 = tpu.memref_slice %arg2[%dma_wait3A_642, %dma_wait3A_643] : memref<32768x768xf32, #tpu.memory_space<hbm>> -> memref<16x768xf32, #tpu.memory_space<hbm>>
      %dma_wait3A_645 = arith.constant 0 : i32
      %dma_wait3A_646 = arith.constant 0 : i32
      %dma_wait3A_647 = tpu.memref_slice %arg5[%dma_wait3A_637, %dma_wait3A_645, %dma_wait3A_646] : memref<4x16x768xf32, #tpu.memory_space<vmem>> -> memref<1x16x768xf32, #tpu.memory_space<vmem>>
      %dma_wait3A_648 = tpu.memref_squeeze %dma_wait3A_647 : memref<1x16x768xf32, #tpu.memory_space<vmem>> -> memref<16x768xf32, #tpu.memory_space<vmem>>
      %dma_wait3A_649 = arith.constant 0 : i32
      %dma_wait3A_650 = arith.constant 0 : i32
      %dma_wait3A_651 = tpu.memref_slice %arg2[%dma_wait3A_649, %dma_wait3A_650] : memref<32768x768xf32, #tpu.memory_space<hbm>> -> memref<16x768xf32, #tpu.memory_space<hbm>>
      tpu.wait_dma2 semaphore(%arg10 : memref<!tpu.dma_semaphore, #tpu.memory_space<semaphore_mem>>) src(%dma_wait3A_651 : memref<16x768xf32, #tpu.memory_space<hbm>>) dst(%dma_wait3A_648 : memref<16x768xf32, #tpu.memory_space<vmem>>)
      %scan3A_652 = arith.constant 0 : i32
      %scan3A_653 = arith.constant 0 : i32
      %scan3A_654 = arith.constant 16 : i32
      %scan3A_655 = arith.addi %scan3A_653, %scan3A_654 : i32
      %scan3A_656 = arith.constant 1 : i32
      scf.for %scan3A_676 = %scan3A_653 to %scan3A_655 step %scan3A_656  : i32 {
        %parallel_loop3A = arith.constant 0 : i32
        %parallel_loop3A_677 = arith.constant 768 : i32
        %parallel_loop3A_678 = arith.constant 16 : i32
        scf.for %parallel_loop3A_679 = %parallel_loop3A to %parallel_loop3A_677 step %parallel_loop3A_678  : i32 {
          %parallel_loop3A_680 = arith.constant 1 : i32
          %parallel_loop3A_681 = arith.index_cast %parallel_loop3A_680 : i32 to index
          %parallel_loop3A_682 = arith.index_cast %scan3A_676 : i32 to index
          %parallel_loop3A_683 = arith.index_cast %parallel_loop3A_679 : i32 to index
          %parallel_loop3A_684 = tpu.vector_load %arg6[%parallel_loop3A_681, %parallel_loop3A_682, %parallel_loop3A_683] {strides = array<i32>} : memref<2x16x768xf32, #tpu.memory_space<vmem>>, vector<1x1x16xf32>,
          %parallel_loop3A_685 = vector.shape_cast %parallel_loop3A_684 : vector<1x1x16xf32> to vector<16xf32>
          %parallel_loop3A_686 = arith.constant 3 : i32
          %parallel_loop3A_687 = arith.index_cast %parallel_loop3A_686 : i32 to index
          %parallel_loop3A_688 = arith.index_cast %scan3A_676 : i32 to index
          %parallel_loop3A_689 = arith.index_cast %parallel_loop3A_679 : i32 to index
          %parallel_loop3A_690 = tpu.vector_load %arg5[%parallel_loop3A_687, %parallel_loop3A_688, %parallel_loop3A_689] {strides = array<i32>} : memref<4x16x768xf32, #tpu.memory_space<vmem>>, vector<1x1x16xf32>,
          %parallel_loop3A_691 = vector.shape_cast %parallel_loop3A_690 : vector<1x1x16xf32> to vector<16xf32>
          %parallel_loop3A_692 = vector.shape_cast %parallel_loop3A_685 : vector<16xf32> to vector<1x1x16xf32>
          tpu.vector_store %arg5[%parallel_loop3A_687, %parallel_loop3A_688, %parallel_loop3A_689], %parallel_loop3A_692 {add = true, strides = array<i32>} : memref<4x16x768xf32, #tpu.memory_space<vmem>>, vector<1x1x16xf32>,
        } {sc.loop_unroll_factor = 8 : i64, sc.parallel_access}
      }
      %scan3A_657 = arith.constant 16 : i32
      %add3A_658 = arith.constant 24576 : i32
      %add3A_659 = arith.addi %add3A_658, %mul3A_2 : i32
      %mul3A_660 = arith.constant 16 : i32
      %mul3A_661 = arith.muli %add3A_381, %mul3A_660 : i32
      %add3A_662 = arith.addi %add3A_659, %mul3A_661 : i32
      %dma_start3A_663 = arith.constant 3 : i32
      %dma_start3A_664 = arith.constant 0 : i32
      %dma_start3A_665 = arith.constant 0 : i32
      %dma_start3A_666 = tpu.memref_slice %arg5[%dma_start3A_663, %dma_start3A_664, %dma_start3A_665] : memref<4x16x768xf32, #tpu.memory_space<vmem>> -> memref<1x16x768xf32, #tpu.memory_space<vmem>>
      %dma_start3A_667 = tpu.memref_squeeze %dma_start3A_666 : memref<1x16x768xf32, #tpu.memory_space<vmem>> -> memref<16x768xf32, #tpu.memory_space<vmem>>
      %dma_start3A_668 = arith.constant 0 : i32
      %dma_start3A_669 = tpu.memref_slice %arg4[%add3A_662, %dma_start3A_668] : memref<32768x768xf32, #tpu.memory_space<hbm>> -> memref<16x768xf32, #tpu.memory_space<hbm>>
      %dma_start3A_670 = arith.constant 0 : i32
      %dma_start3A_671 = tpu.memref_slice %arg4[%add3A_662, %dma_start3A_670] : memref<32768x768xf32, #tpu.memory_space<hbm>> -> memref<16x768xf32, #tpu.memory_space<hbm>>
      %dma_start3A_672 = arith.constant 0 : i32
      %dma_start3A_673 = arith.constant 0 : i32
      %dma_start3A_674 = tpu.memref_slice %arg5[%dma_start3A_663, %dma_start3A_672, %dma_start3A_673] : memref<4x16x768xf32, #tpu.memory_space<vmem>> -> memref<1x16x768xf32, #tpu.memory_space<vmem>>
      %dma_start3A_675 = tpu.memref_squeeze %dma_start3A_674 : memref<1x16x768xf32, #tpu.memory_space<vmem>> -> memref<16x768xf32, #tpu.memory_space<vmem>>
      tpu.enqueue_dma source(%dma_start3A_675 : memref<16x768xf32, #tpu.memory_space<vmem>>) target(%dma_start3A_671 : memref<16x768xf32, #tpu.memory_space<hbm>>) target_semaphore(%arg16 : memref<!tpu.dma_semaphore, #tpu.memory_space<semaphore_mem>>)
    }
    %scan3A_38 = arith.constant 8 : i32
    %dma_wait3A = arith.constant 1 : i32
    %dma_wait3A_39 = arith.constant 0 : i32
    %dma_wait3A_40 = arith.constant 0 : i32
    %dma_wait3A_41 = tpu.memref_slice %arg5[%dma_wait3A, %dma_wait3A_39, %dma_wait3A_40] : memref<4x16x768xf32, #tpu.memory_space<vmem>> -> memref<1x16x768xf32, #tpu.memory_space<vmem>>
    %dma_wait3A_42 = tpu.memref_squeeze %dma_wait3A_41 : memref<1x16x768xf32, #tpu.memory_space<vmem>> -> memref<16x768xf32, #tpu.memory_space<vmem>>
    %dma_wait3A_43 = arith.constant 0 : i32
    %dma_wait3A_44 = arith.constant 0 : i32
    %dma_wait3A_45 = tpu.memref_slice %arg4[%dma_wait3A_43, %dma_wait3A_44] : memref<32768x768xf32, #tpu.memory_space<hbm>> -> memref<16x768xf32, #tpu.memory_space<hbm>>
    %dma_wait3A_46 = arith.constant 0 : i32
    %dma_wait3A_47 = arith.constant 0 : i32
    %dma_wait3A_48 = tpu.memref_slice %arg4[%dma_wait3A_46, %dma_wait3A_47] : memref<32768x768xf32, #tpu.memory_space<hbm>> -> memref<16x768xf32, #tpu.memory_space<hbm>>
    %dma_wait3A_49 = arith.constant 0 : i32
    %dma_wait3A_50 = arith.constant 0 : i32
    %dma_wait3A_51 = tpu.memref_slice %arg5[%dma_wait3A, %dma_wait3A_49, %dma_wait3A_50] : memref<4x16x768xf32, #tpu.memory_space<vmem>> -> memref<1x16x768xf32, #tpu.memory_space<vmem>>
    %dma_wait3A_52 = tpu.memref_squeeze %dma_wait3A_51 : memref<1x16x768xf32, #tpu.memory_space<vmem>> -> memref<16x768xf32, #tpu.memory_space<vmem>>
    tpu.wait_dma2 semaphore(%arg14 : memref<!tpu.dma_semaphore, #tpu.memory_space<semaphore_mem>>) src(%dma_wait3A_52 : memref<16x768xf32, #tpu.memory_space<vmem>>) dst(%dma_wait3A_48 : memref<16x768xf32, #tpu.memory_space<hbm>>)
    %dma_wait3A_53 = arith.constant 2 : i32
    %dma_wait3A_54 = arith.constant 0 : i32
    %dma_wait3A_55 = arith.constant 0 : i32
    %dma_wait3A_56 = tpu.memref_slice %arg5[%dma_wait3A_53, %dma_wait3A_54, %dma_wait3A_55] : memref<4x16x768xf32, #tpu.memory_space<vmem>> -> memref<1x16x768xf32, #tpu.memory_space<vmem>>
    %dma_wait3A_57 = tpu.memref_squeeze %dma_wait3A_56 : memref<1x16x768xf32, #tpu.memory_space<vmem>> -> memref<16x768xf32, #tpu.memory_space<vmem>>
    %dma_wait3A_58 = arith.constant 0 : i32
    %dma_wait3A_59 = arith.constant 0 : i32
    %dma_wait3A_60 = tpu.memref_slice %arg4[%dma_wait3A_58, %dma_wait3A_59] : memref<32768x768xf32, #tpu.memory_space<hbm>> -> memref<16x768xf32, #tpu.memory_space<hbm>>
    %dma_wait3A_61 = arith.constant 0 : i32
    %dma_wait3A_62 = arith.constant 0 : i32
    %dma_wait3A_63 = tpu.memref_slice %arg4[%dma_wait3A_61, %dma_wait3A_62] : memref<32768x768xf32, #tpu.memory_space<hbm>> -> memref<16x768xf32, #tpu.memory_space<hbm>>
    %dma_wait3A_64 = arith.constant 0 : i32
    %dma_wait3A_65 = arith.constant 0 : i32
    %dma_wait3A_66 = tpu.memref_slice %arg5[%dma_wait3A_53, %dma_wait3A_64, %dma_wait3A_65] : memref<4x16x768xf32, #tpu.memory_space<vmem>> -> memref<1x16x768xf32, #tpu.memory_space<vmem>>
    %dma_wait3A_67 = tpu.memref_squeeze %dma_wait3A_66 : memref<1x16x768xf32, #tpu.memory_space<vmem>> -> memref<16x768xf32, #tpu.memory_space<vmem>>
    tpu.wait_dma2 semaphore(%arg15 : memref<!tpu.dma_semaphore, #tpu.memory_space<semaphore_mem>>) src(%dma_wait3A_67 : memref<16x768xf32, #tpu.memory_space<vmem>>) dst(%dma_wait3A_63 : memref<16x768xf32, #tpu.memory_space<hbm>>)
    %dma_wait3A_68 = arith.constant 3 : i32
    %dma_wait3A_69 = arith.constant 0 : i32
    %dma_wait3A_70 = arith.constant 0 : i32
    %dma_wait3A_71 = tpu.memref_slice %arg5[%dma_wait3A_68, %dma_wait3A_69, %dma_wait3A_70] : memref<4x16x768xf32, #tpu.memory_space<vmem>> -> memref<1x16x768xf32, #tpu.memory_space<vmem>>
    %dma_wait3A_72 = tpu.memref_squeeze %dma_wait3A_71 : memref<1x16x768xf32, #tpu.memory_space<vmem>> -> memref<16x768xf32, #tpu.memory_space<vmem>>
    %dma_wait3A_73 = arith.constant 0 : i32
    %dma_wait3A_74 = arith.constant 0 : i32
    %dma_wait3A_75 = tpu.memref_slice %arg4[%dma_wait3A_73, %dma_wait3A_74] : memref<32768x768xf32, #tpu.memory_space<hbm>> -> memref<16x768xf32, #tpu.memory_space<hbm>>
    %dma_wait3A_76 = arith.constant 0 : i32
    %dma_wait3A_77 = arith.constant 0 : i32
    %dma_wait3A_78 = tpu.memref_slice %arg4[%dma_wait3A_76, %dma_wait3A_77] : memref<32768x768xf32, #tpu.memory_space<hbm>> -> memref<16x768xf32, #tpu.memory_space<hbm>>
    %dma_wait3A_79 = arith.constant 0 : i32
    %dma_wait3A_80 = arith.constant 0 : i32
    %dma_wait3A_81 = tpu.memref_slice %arg5[%dma_wait3A_68, %dma_wait3A_79, %dma_wait3A_80] : memref<4x16x768xf32, #tpu.memory_space<vmem>> -> memref<1x16x768xf32, #tpu.memory_space<vmem>>
    %dma_wait3A_82 = tpu.memref_squeeze %dma_wait3A_81 : memref<1x16x768xf32, #tpu.memory_space<vmem>> -> memref<16x768xf32, #tpu.memory_space<vmem>>
    tpu.wait_dma2 semaphore(%arg16 : memref<!tpu.dma_semaphore, #tpu.memory_space<semaphore_mem>>) src(%dma_wait3A_82 : memref<16x768xf32, #tpu.memory_space<vmem>>) dst(%dma_wait3A_78 : memref<16x768xf32, #tpu.memory_space<hbm>>)
    return
  }
}

</mosaic_0001>

<sc_bundles>
// kernel: _sc_kernel.3.cloned.1.call-start
scs
__scs_entry_jumppad:
0x0: {  	(pc) =	sbr.rel $0x88, $3  }
0x1: {  	(tag) =	ssettag $0x0;
	lr =	simm.s32 $0x1  }
0x2: {  	[smem:$0x3F9F] =	sst lr;
	_ =	strace $0xD0000000  }
0x3: {  	_ = 	snop  }
0x4: {  	_ = 	snop  }
0x5: {  	_ = 	snop  }
0x6: {  	_ = 	snop  }
0x7: {  	_ = 	snop  }
__scs_overlays_trampoline_lowered:
0x8: {  	[smem:$0x3FAE] =	sst s0  }
0x9: {  	[smem:$0x3FAF] =	sst s1  }
0xa: {  	[smem:$0x3FB0] =	sst s2  }
0xb: {  	[smem:$0x3FB1] =	sst s3  }
0xc: {  	[smem:$0x3FB2] =	sst s4  }
0xd: {  	[smem:$0x3FB3] =	sst s5  }
0xe: {  	[smem:$0x3FB4] =	sst s6  }
0xf: {  	[smem:$0x3FB5] =	sst s7  }
0x10: {  	[smem:$0x3FB6] =	sst s8  }
0x11: {  	[smem:$0x3FB7] =	sst s9;
	s0 =	simm.s32 @!p0 $0x0  }
0x12: {  	s1 =	sld [smem:$0x3F9D];
	s0 =	simm.s32 @p0 $0x1  }
0x13: {  	[smem:$0x3FB8] =	sst s0;
	s0 =	simm.s32 @!p1 $0x0  }
0x14: {  	s2 =	sld [smem:$0x3F9C];
	s0 =	simm.s32 @p1 $0x1  }
0x15: {  	[smem:$0x3FB9] =	sst s0;
	s0 =	simm.s32 @!p2 $0x0  }
0x16: {  	s3 =	sld [smem:$0x3FDB];
	s0 =	simm.s32 @p2 $0x1  }
0x17: {  	s4 =	simm.s32 $0x1BF5;
	[smem:$0x3FBB] =	sst s0  }
0x18: {  	s0 =	sld [smem:$0x3F9E];
	_ =	swait.ge [sflag:s4], $0x0  }
0x19: {  	s7 =	sld [smem:$0x3F9F]  }
0x1a: {  	s8 =	sadd.s32 $0xFFFFE003, lr  }
0x1b: {  	s9 =	sadd.s32 $0xFFFFFEF7, lr;
	s5 =	simm.s32 $0xFFFFFFFF;
	p2 =	slt.u32 s8, $0xFFFFF086  }
0x1c: {  	p1 =	slt.u32 s9, $0xF7A;
	s5 =	simm.s32 @!p2 $0x0  }
0x1d: {  	s5 =	simm.s32 @p1 $0x1;
	p0 =	seq.s32 s7, s2  }
0x1e: {  	s7 =	smul.u32 @!p0 $0xF7A, s2;
	p2 =	seq.s32 @!p0 s5, $0x0  }
0x1f: {  	s9 =	smul.u32 $0xF7A, s1;
	s8 =	simm.s32 @!p0 $0x1BF5;
	p2 =	por !p2, p0  }
0x20: {  	[sflag:s8] =	ssyncset.s32 @!p0 $0xFFFFF086;
	s6 =	sadd.s32 @!p0 s3, s7;
	s7 =	simm.s32 @!p0 $0x108  }
0x21: {  	s3 =	sadd.s32 s3, s9;
	s6 =	sadd.s32 @!p0 $0x88, s6;
	s7 =	simm.s32 @p2 $0x1082  }
0x22: {  	[simem:s7], [sflag:s8] =	dma.local @!p0 [hbm:s6], $0xF7A  }
0x23: {  	s9 =	sor.u32 $0xD0000000, s2;
	s6 =	simm.s32 $0x108;
	_ =	swait.ge @!p0 [sflag:s8], $0x0  }
0x24: {  	s3 =	sadd.s32 $0x88, s3;
	s6 =	simm.s32 @!p1 $0x1082;
	[sflag:s4] =	ssyncset.s32 $0xFFFFF086  }
0x25: {  	[simem:s6], [sflag:s4] =	dma.local [hbm:s3], $0xF7A  }
0x26: {  	[smem:$0x3F9F] =	sst s1;
	(tag) =	ssettag s2;
	_ =	strace s9  }
0x27: {  	s1 =	sld [smem:$0x3FAF]  }
0x28: {  	s2 =	sld [smem:$0x3FB0]  }
0x29: {  	s4 =	sld [smem:$0x3FB2]  }
0x2a: {  	p0 =	seq.s32 s5, $0x0;
	s5 =	sld [smem:$0x3FB3]  }
0x2b: {  	s6 =	sld [smem:$0x3FB4]  }
0x2c: {  	s7 =	sld [smem:$0x3FB5]  }
0x2d: {  	s3 =	simm.s32 $0x108;
	s8 =	sld [smem:$0x3FB6]  }
0x2e: {  	s3 =	simm.s32 @!p0 $0x1082;
	s9 =	sld [smem:$0x3FB7]  }
0x2f: {  	lr =	sadd.s32 s0, s3;
	s0 =	sld [smem:$0x3FAE]  }
0x30: {  	s3 =	sld [smem:$0x3FB1]  }
0x31: {  	[smem:$0x3FBA] =	sst s10  }
0x32: {  	s10 =	sld [smem:$0x3FB8];
	_ =	sdelay $0x3  }
0x33: {  	p0 =	seq.s32 s10, $0x1;
	s10 =	sld [smem:$0x3FBA];
	_ =	sdelay $0x3  }
0x34: {  	[smem:$0x3FBA] =	sst s10  }
0x35: {  	s10 =	sld [smem:$0x3FB9];
	_ =	sdelay $0x3  }
0x36: {  	p1 =	seq.s32 s10, $0x1;
	s10 =	sld [smem:$0x3FBA];
	_ =	sdelay $0x3  }
0x37: {  	[smem:$0x3FBA] =	sst s10  }
0x38: {  	s10 =	sld [smem:$0x3FBB]  }
0x39: {  	_ = 	snop;
	(pc) =	sbr.ind lr, $3  }
0x3a: {  	_ = 	snop  }
0x3b: {  	_ = 	snop  }
0x3c: {  	p2 =	seq.s32 s10, $0x1;
	s10 =	sld [smem:$0x3FBA]  }
0x3d: {  	_ =	shalt  }
0x3e: {  	_ =	shalt  }
0x3f: {  	_ =	shalt  }
0x40: {  	_ =	shalt  }
0x41: {  	_ =	shalt  }
0x42: {  	_ =	shalt  }
0x43: {  	_ =	shalt  }
0x44: {  	_ =	shalt  }
0x45: {  	_ =	shalt  }
0x46: {  	_ =	shalt  }
0x47: {  	_ =	shalt  }
0x48: {  	_ =	shalt  }
0x49: {  	_ =	shalt  }
0x4a: {  	_ =	shalt  }
0x4b: {  	_ =	shalt  }
0x4c: {  	_ =	shalt  }
0x4d: {  	_ =	shalt  }
0x4e: {  	_ =	shalt  }
0x4f: {  	_ =	shalt  }
0x50: {  	_ =	shalt  }
0x51: {  	_ =	shalt  }
0x52: {  	_ =	shalt  }
0x53: {  	_ =	shalt  }
0x54: {  	_ =	shalt  }
0x55: {  	_ =	shalt  }
0x56: {  	_ =	shalt  }
0x57: {  	_ =	shalt  }
0x58: {  	_ =	shalt  }
0x59: {  	_ =	shalt  }
0x5a: {  	_ =	shalt  }
0x5b: {  	_ =	shalt  }
0x5c: {  	_ =	shalt  }
0x5d: {  	_ =	shalt  }
0x5e: {  	_ =	shalt  }
0x5f: {  	_ =	shalt  }
0x60: {  	_ =	shalt  }
0x61: {  	_ =	shalt  }
0x62: {  	_ =	shalt  }
0x63: {  	_ =	shalt  }
0x64: {  	_ =	shalt  }
0x65: {  	_ =	shalt  }
0x66: {  	_ =	shalt  }
0x67: {  	_ =	shalt  }
0x68: {  	_ =	shalt  }
0x69: {  	_ =	shalt  }
0x6a: {  	_ =	shalt  }
0x6b: {  	_ =	shalt  }
0x6c: {  	_ =	shalt  }
0x6d: {  	_ =	shalt  }
0x6e: {  	_ =	shalt  }
0x6f: {  	_ =	shalt  }
0x70: {  	_ =	shalt  }
0x71: {  	_ =	shalt  }
0x72: {  	_ =	shalt  }
0x73: {  	_ =	shalt  }
0x74: {  	_ =	shalt  }
0x75: {  	_ =	shalt  }
0x76: {  	_ =	shalt  }
0x77: {  	_ =	shalt  }
0x78: {  	_ =	shalt  }
0x79: {  	_ =	shalt  }
0x7a: {  	_ =	shalt  }
0x7b: {  	_ =	shalt  }
0x7c: {  	_ =	shalt  }
0x7d: {  	_ =	shalt  }
0x7e: {  	_ =	shalt  }
0x7f: {  	_ =	shalt  }
0x80: {  	_ =	shalt  }
0x81: {  	_ =	shalt  }
0x82: {  	_ =	shalt  }
0x83: {  	_ =	shalt  }
0x84: {  	_ =	shalt  }
0x85: {  	_ =	shalt  }
0x86: {  	_ =	shalt  }
0x87: {  	_ =	shalt  }
.Lfunc_end0:
.L_simem_size_0:
called_computation_lowered:
.L_overlay_start_0:
0x88: {  	s2 =	sld [smem:$0x3FD9]  }
0x89: {  	s3 =	sld [smem:$0x3FFE];
	_ =	sdelay $0x1  }
0x8a: {  	s1 =	srdreg.scid  }
0x8b: {  	s0 =	sand.u32 $0x1, s1  }
0x8c: {  	s18 =	sshll.u32 s0, $0xA;
	s2 =	sadd.s32 s3, s2  }
0x8d: {  	s2 =	sadd.s32 s2, s18  }
0x8e: {  	[smem:$0x3FC6] =	sst s2  }
0x8f: {  	_ = 	snop  }
0x90: {  	s2 =	sld [smem:$0x3FC9]  }
0x91: {  	s19 =	sld [smem:$0x3FC8]  }
0x92: {  	s4 =	sld [smem:$0x3FD0];
	(tm) =	ssettm $0x1  }
0x93: {  	s5 =	sld [smem:$0x3FFB];
	_ =	sdelay $0x3  }
0x94: {  	_ =	strace s5  }
0x95: {  	s5 =	sld [smem:$0x3FFC];
	_ =	sdelay $0x3  }
0x96: {  	_ =	strace s5  }
0x97: {  	s5 =	sld [smem:$0x3FFD];
	_ =	sdelay $0x3  }
0x98: {  	_ =	strace s5  }
0x99: {  	_ =	strace $0x8FFFFFFF  }
0x9a: {  	s20 =	sld [smem:$0x3FDB];
	_ =	sdelay $0x1  }
0x9b: {  	s6 =	simm.s32 $_scs_section_size  }
0x9c: {  	s7 =	simm.s32 $_size__tile_overlayer_lowered;
	s8 =	simm.s32 $_tile_overlayer_lowered  }
0x9d: {  	s23 =	simm.s32 $0x1BFF;
	s22 =	sshll.u32 s8, $0x1;
	s5 =	sadd.s32 s6, s20  }
0x9e: {  	s9 =	simm.s32 $0x0;
	s21 =	sshll.u32 s7, $0x1;
	s7 =	sadd.s32 s22, s5  }
0x9f: {  	[timem:s9], [sflag:s23] =	dma.local [hbm:s7], s21  }
0xa0: {  	_ =	swait.ge [sflag:s23], s21  }
0xa1: {  	s6 =	ssub.s32 $0x0, s21;
	[sflag:s23] =	ssyncset.done $0x0  }
0xa2: {  	[sflag:s23] =	ssyncadd.s32 s6;
	_ =	sdelay $0x1  }
0xa3: {  	s24 =	simm.s32 $0x1B8B  }
0xa4: {  	_ =	swait.ge [sflag:s24], $0x1  }
0xa5: {  	[sflag:s24] =	ssyncset.done $0x0  }
0xa6: {  	s25 =	simm.s32 $0x1B8E;
	[sflag:s24] =	ssyncadd.s32 $0xFFFFFFFF  }
0xa7: {  	s26 =	simm.s32 $execute0_lowered;
	[smem:$0x3FD2] =	sst s25  }
0xa8: {  	s6 =	sshll.u32 s26, $0x1;
	_ =	strace $0x80000046;
	[dreg:$0x1] =	wrdreg $0xFFFFFFFF  }
0xa9: {  	s28 =	simm.s32 $_size_execute0_lowered;
	s5 =	sadd.s32 s5, s6;
	[dreg:$0x0] =	wrdreg $0x0  }
0xaa: {  	s6 =	sshll.u32 s28, $0x1;
	[dreg:$0x2] =	wrdreg s5  }
0xab: {  	[dreg:$0x3] =	wrdreg s6  }
0xac: {  	[dreg:$0x4] =	wrdreg $0xC0  }
0xad: {  	_ =	task [dreg:s9], $0x5FFFF  }
0xae: {  	[dreg:$0x1] =	wrdreg $0xFFFFFFFF  }
0xaf: {  	[dreg:$0x0] =	wrdreg $0x60  }
0xb0: {  	[dreg:$0x2] =	wrdreg s2  }
0xb1: {  	[dreg:$0x3] =	wrdreg s19  }
0xb2: {  	[dreg:$0x4] =	wrdreg s4  }
0xb3: {  	[dreg:$0x5] =	wrdreg $0x9  }
0xb4: {  	_ =	task.clear_ibuf [dreg:s9], $0x6FFFF;
	_ =	strace $0x90000046  }
0xb5: {  	s29 =	simm.s32 $0x9;
	_ =	strace $0x80000048  }
0xb6: {  	_ =	swait.ge [sflag:s29], $0x1  }
0xb7: {  	[sflag:s29] =	ssyncadd.s32 $0xFFFFFFFF  }
0xb8: {  	_ =	strace $0x90000048  }
0xb9: {  	_ =	sfence  }
0xba: {  	s30 =	sld [smem:$0x0];
	_ =	sdelay $0x2  }
0xbb: {  	s31 =	sshll.u32 s1, $0xD;
	s1 =	sshrl.u32 s1, $0x2  }
0xbc: {  	s3 =	sand.u32 $0x4000, s31;
	s1 =	sadd.s32 s1, s30  }
0xbd: {  	s0 =	sor.u32 s3, s0;
	s1 =	sshll.u32 s1, $0x11  }
0xbe: {  	s0 =	sor.u32 s1, s0  }
0xbf: {  	s0 =	sadd.s32 $0x8F2B, s0  }
0xc0: {  	[sflag:s0] =	ssyncadd.remote.s32 $0x1  }
0xc1: {  	_ =	sfence.sel $0xFFFF  }
0xc2: {  	[dreg:$0x0] =	wrdreg $0xFFFFFFFF;
	(pc) =	sbr.abs _section_cstart, $3  }
0xc3: {  	[dreg:$0x1] =	wrdreg $0xFFFFFFFF  }
0xc4: {  	_ =	task.clear_ibuf [dreg:s9], $0x2FFFF;
	_ =	strace $0x9FFFFFFF  }
0xc5: {  	(tm) =	ssettm $0x7FFFFFFF  }
tec
execute0_lowered:
.L_overlay_start_1:
0x0: {  	(tag) =	ssettag $0x1  }
0x1: {  	s1 =	rddreg [dreg:$0x0]  }
0x2: {  	s0 =	srdreg.scid;
	s30 =	rddreg [dreg:$0x1]  }
0x3: {  	s2 =	stileid.u32;
	s4 =	rddreg [dreg:$0x2];
	s6 =	simm.s32 $0x0  }
0x4: {  	s17 =	simm.s32 $0x3000;
	s18 =	simm.s32 $0x1;
	s19 =	simm.s32 $0x6000  }
0x5: {  	s20 =	simm.s32 $0x2;
	s21 =	simm.s32 $0x9000;
	s22 =	simm.s32 $0x3  }
0x6: {  	s23 =	simm.s32 $0x7;
	s24 =	simm.s32 $0x4;
	s0 =	sand.u32 $0x1, s0  }
0x7: {  	s28 =	simm.s32 $0x9;
	s2 =	sshll.u32 s2, $0x9;
	s3 =	sshll.u32 s0, $0x8  }
0x8: {  	s29 =	simm.s32 $0xA;
	s0 =	ssub.s32 $0x2, s0;
	s5 =	sor.u32 s3, s2  }
0x9: {  	[smem:$0x7FF] =	sst s6;
	s25 =	sshrl.u32 s0, $0x1;
	s2 =	sshrl.u32 s5, $0x3  }
0xa: {  	s0 =	ssub.s32 s0, s25;
	s31 =	sor.u32 $0x20, s5;
	s2 =	smul.u32 $0x300, s2  }
0xb: {  	_ =	strace $0x80000047;
	[dreg:$0x6] =	wrdreg s31;
	s0 =	smax.u32 s0, $0x1  }
0xc: {  	s9 =	sor.u32 $0x2000, s5;
	[dreg:$0x7] =	wrdreg s0;
	s26 =	sadd.s32 s30, s2  }
0xd: {  	s10 =	sor.u32 $0x4000, s5;
	s2 =	sadd.s32 s1, s2;
	[dreg:$0x4] =	wrdreg s26  }
0xe: {  	s11 =	sor.u32 $0x6000, s5;
	[dreg:$0x5] =	wrdreg s2;
	s2 =	simm.s32 $0x0  }
.LBB2_1:
0xf: {  	[dreg:$0x8] =	wrdreg s2  }
0x10: {  	s0 =	rddreg [dreg:$0x4];
	s25 =	simm.s32 $0xC000  }
0x11: {  	[tilespmem:s25], [sflag:$0x5] =	stream.linear.gather [hbm4b:s0+s6], $0x3000, $0x38;
	[tilespmem:$0x12000] =	vst v63  }
0x12: {  	s26 =	rddreg [dreg:$0x5];
	s31 =	simm.s32 $0x0  }
0x13: {  	[tilespmem:s6], [sflag:$0x1] =	stream.linear.gather [hbm4b:s26+s6], $0x3000, $0x38;
	[tilespmem:$0x12000] =	vst v63  }
.LBB2_2:
0x14: {  	s14 =	sshll.u32 s31, $0x5  }
0x15: {  	s2 =	sor.u32 $0x10, s14  }
0x16: {  	s0 =	sor.u32 s5, s2  }
0x17: {  	s3 =	simm.s32 $0x5;
	s0 =	sshrl.u32 s0, $0x3  }
0x18: {  	s26 =	smov.u32 s30;
	_ =	swait.ge [sflag:s3], $0x3000;
	s0 =	smul.u32 $0x300, s0  }
0x19: {  	s7 =	simm.s32 $0xF000;
	p0 =	seq.s32 s31, $0x0;
	[sflag:s3] =	ssyncset.done $0x0  }
0x1a: {  	[sflag:s3] =	ssyncadd.s32 $0xFFFFD000;
	s25 =	sadd.s32 s30, s0;
	s30 =	sor.u32 s9, s14  }
0x1b: {  	[tilespmem:s7], [sflag:$0x6] =	stream.linear.gather [hbm4b:s25+s6], $0x3000, $0x38;
	[tilespmem:$0x12000] =	vst v63  }
0x1c: {  	s8 =	simm.s32 @!p0 $0x8;
	s3 =	sshrl.u32 s30, $0x3  }
0x1d: {  	_ =	swait.ge @!p0 [sflag:s8], $0x3000;
	s7 =	smul.u32 $0x300, s3  }
0x1e: {  	[sflag:s8] =	ssyncset.done @!p0 $0x0  }
0x1f: {  	[sflag:s8] =	ssyncadd.s32 @!p0 $0xFFFFD000;
	s3 =	sadd.s32 s1, s7;
	s8 =	simm.s32 $0x0  }
0x20: {  	[tilespmem:s17], [sflag:$0x2] =	stream.linear.gather [hbm4b:s3+s8], $0x3000, $0x38;
	[tilespmem:$0x12000] =	vst v63  }
0x21: {  	_ =	swait.ge [sflag:s18], $0x3000  }
0x22: {  	[sflag:s18] =	ssyncset.done $0x0  }
0x23: {  	s13 =	simm.s32 $0x0;
	[sflag:s18] =	ssyncadd.s32 $0xFFFFD000  }
.LBB2_3:
0x24: {  	s3 =	sand.u32 $0x7, s8  }
0x25: {  	s3 =	sshll.u32 s3, $0x9  }
0x26: {  	s30 =	sshrl.u32 s3, $0x2  }
0x27: {  	s25 =	sshrl.u32 s13, $0x3;
	v0 =	vmov s30  }
0x28: {  	s3 =	smul.u32 $0x6000, s25;
	_ =	sdelay $0x1  }
0x29: {  	s16 =	sshra.s32 s3, $0x2  }
0x2a: {  	s12 =	sadd.s32 $0xC040, s16  }
0x2b: {  	v1 =	vld.idx.msk [tilespmem:v0+s12+$0x30 ss:$0x1], $0xffff  }
0x2c: {  	v2 =	vld.idx.msk [tilespmem:v0+s12+$0xFFFFFFD0 ss:$0x1], $0xffff  }
0x2d: {  	v3 =	vld.idx.msk [tilespmem:v0+s12+$0xFFFFFFE0 ss:$0x1], $0xffff  }
0x2e: {  	v4 =	vld.idx.msk [tilespmem:v0+s12+$0xFFFFFFF0 ss:$0x1], $0xffff  }
0x2f: {  	v5 =	vld.idx.msk [tilespmem:v0+s12+$0x0 ss:$0x1], $0xffff  }
0x30: {  	v6 =	vld.idx.msk [tilespmem:v0+s12+$0x10 ss:$0x1], $0xffff  }
0x31: {  	s15 =	sadd.s32 s30, s16;
	v7 =	vld.idx.msk [tilespmem:v0+s12+$0xFFFFFFC0 ss:$0x1], $0xffff  }
0x32: {  	[tilespmem:s15+$0x70] =	vst.add.f32.msk $0xffff, v1  }
0x33: {  	v1 =	vld.idx.msk [tilespmem:v0+s12+$0x20 ss:$0x1], $0xffff  }
0x34: {  	[tilespmem:s15+$0x10] =	vst.add.f32.msk $0xffff, v2  }
0x35: {  	[tilespmem:s15+$0x20] =	vst.add.f32.msk $0xffff, v3  }
0x36: {  	[tilespmem:s15+$0x30] =	vst.add.f32.msk $0xffff, v4  }
0x37: {  	[tilespmem:s15+$0x40] =	vst.add.f32.msk $0xffff, v5  }
0x38: {  	[tilespmem:s15+$0x50] =	vst.add.f32.msk $0xffff, v6  }
0x39: {  	[tilespmem:s15+$0x0] =	vst.add.f32.msk $0xffff, v7  }
0x3a: {  	s3 =	simm.s32 $0x0;
	s12 =	sadd.s32 $0x400, s12;
	[tilespmem:s15+$0x60] =	vst.add.f32.msk $0xffff, v1  }
.LBB2_4:
0x3b: {  	v1 =	vld.idx.msk [tilespmem:v0+s12+$0x30 ss:$0x1], $0xffff;
	s3 =	sadd.s32 $0x80, s3  }
0x3c: {  	v2 =	vld.idx.msk [tilespmem:v0+s12+$0xFFFFFFD0 ss:$0x1], $0xffff;
	p1 =	slt.u32 s3, $0x280  }
0x3d: {  	v3 =	vld.idx.msk [tilespmem:v0+s12+$0xFFFFFFE0 ss:$0x1], $0xffff  }
0x3e: {  	v4 =	vld.idx.msk [tilespmem:v0+s12+$0xFFFFFFF0 ss:$0x1], $0xffff  }
0x3f: {  	s16 =	sadd.s32 $0x400, s16;
	v5 =	vld.idx.msk [tilespmem:v0+s12+$0x0 ss:$0x1], $0xffff  }
0x40: {  	s15 =	sadd.s32 s30, s16;
	v6 =	vld.idx.msk [tilespmem:v0+s12+$0x10 ss:$0x1], $0xffff  }
0x41: {  	[tilespmem:s15+$0x70] =	vst.add.f32.msk $0xffff, v1  }
0x42: {  	v1 =	vld.idx.msk [tilespmem:v0+s12+$0x20 ss:$0x1], $0xffff  }
0x43: {  	v7 =	vld.idx.msk [tilespmem:v0+s12+$0xFFFFFFC0 ss:$0x1], $0xffff  }
0x44: {  	[tilespmem:s15+$0x10] =	vst.add.f32.msk $0xffff, v2  }
0x45: {  	[tilespmem:s15+$0x20] =	vst.add.f32.msk $0xffff, v3  }
.Ltmp0:
0x46: {  	[tilespmem:s15+$0x30] =	vst.add.f32.msk $0xffff, v4;
	(pc) =	sbr.rel @p1 .LBB2_4-.Ltmp0, $4  }
0x47: {  	[tilespmem:s15+$0x40] =	vst.add.f32.msk $0xffff, v5  }
0x48: {  	[tilespmem:s15+$0x50] =	vst.add.f32.msk $0xffff, v6  }
0x49: {  	[tilespmem:s15+$0x0] =	vst.add.f32.msk $0xffff, v7  }
0x4a: {  	s12 =	sadd.s32 $0x400, s12;
	[tilespmem:s15+$0x60] =	vst.add.f32.msk $0xffff, v1  }
0x4b: {  	s13 =	sadd.s32 $0x1, s13  }
0x4c: {  	p1 =	sne.s32 s13, $0x10  }
.Ltmp1:
0x4d: {  	_ = 	snop;
	(pc) =	sbr.rel @p1 .LBB2_3-.Ltmp1, $2  }
0x4e: {  	_ =	sdelay $0x2  }
0x4f: {  	s8 =	sadd.s32 $0x1, s8  }
0x50: {  	s3 =	sor.u32 s5, s14  }
0x51: {  	s3 =	sshrl.u32 s3, $0x3  }
0x52: {  	s3 =	smul.u32 $0x300, s3;
	_ =	sdelay $0x1  }
0x53: {  	s25 =	sor.u32 s10, s14;
	s3 =	sadd.s32 s4, s3  }
0x54: {  	[hbm4b:s3+s6] =	stream.linear.scatter [tilespmem:s6], [sflag:$0x7], $0x3000, $0x38;
	[tilespmem:$0x12000] =	vst v63  }
0x55: {  	s12 =	simm.s32 @!p0 $0x9;
	s3 =	sshrl.u32 s25, $0x3  }
0x56: {  	_ =	swait.ge @!p0 [sflag:s12], $0x3000;
	s8 =	smul.u32 $0x300, s3  }
0x57: {  	[sflag:s12] =	ssyncset.done @!p0 $0x0  }
0x58: {  	s13 =	simm.s32 $0x0;
	[sflag:s12] =	ssyncadd.s32 @!p0 $0xFFFFD000;
	s3 =	sadd.s32 s1, s8  }
0x59: {  	[tilespmem:s19], [sflag:$0x3] =	stream.linear.gather [hbm4b:s3+s13], $0x3000, $0x38;
	[tilespmem:$0x12000] =	vst v63  }
0x5a: {  	_ =	swait.ge [sflag:s20], $0x3000  }
0x5b: {  	[sflag:s20] =	ssyncset.done $0x0  }
0x5c: {  	s30 =	simm.s32 $0x0;
	[sflag:s20] =	ssyncadd.s32 $0xFFFFD000  }
.LBB2_7:
0x5d: {  	s3 =	sand.u32 $0x7, s13  }
0x5e: {  	s3 =	sshll.u32 s3, $0x9  }
0x5f: {  	s16 =	sshrl.u32 s3, $0x2  }
0x60: {  	s25 =	sshrl.u32 s30, $0x3;
	v0 =	vmov s16  }
0x61: {  	s3 =	smul.u32 $0x6000, s25;
	_ =	sdelay $0x1  }
0x62: {  	s3 =	sshra.s32 s3, $0x2  }
0x63: {  	s15 =	sadd.s32 $0xC040, s3  }
0x64: {  	v1 =	vld.idx.msk [tilespmem:v0+s15+$0x30 ss:$0x1], $0xffff  }
0x65: {  	v2 =	vld.idx.msk [tilespmem:v0+s15+$0xFFFFFFD0 ss:$0x1], $0xffff  }
0x66: {  	v3 =	vld.idx.msk [tilespmem:v0+s15+$0xFFFFFFE0 ss:$0x1], $0xffff  }
0x67: {  	v4 =	vld.idx.msk [tilespmem:v0+s15+$0xFFFFFFF0 ss:$0x1], $0xffff  }
0x68: {  	v5 =	vld.idx.msk [tilespmem:v0+s15+$0x0 ss:$0x1], $0xffff  }
0x69: {  	v6 =	vld.idx.msk [tilespmem:v0+s15+$0x10 ss:$0x1], $0xffff  }
0x6a: {  	s25 =	sadd.s32 s16, s3;
	v7 =	vld.idx.msk [tilespmem:v0+s15+$0xFFFFFFC0 ss:$0x1], $0xffff  }
0x6b: {  	[tilespmem:s25+$0x3070] =	vst.add.f32.msk $0xffff, v1  }
0x6c: {  	v1 =	vld.idx.msk [tilespmem:v0+s15+$0x20 ss:$0x1], $0xffff  }
0x6d: {  	[tilespmem:s25+$0x3010] =	vst.add.f32.msk $0xffff, v2  }
0x6e: {  	[tilespmem:s25+$0x3020] =	vst.add.f32.msk $0xffff, v3  }
0x6f: {  	[tilespmem:s25+$0x3030] =	vst.add.f32.msk $0xffff, v4  }
0x70: {  	[tilespmem:s25+$0x3040] =	vst.add.f32.msk $0xffff, v5  }
0x71: {  	[tilespmem:s25+$0x3050] =	vst.add.f32.msk $0xffff, v6  }
0x72: {  	[tilespmem:s25+$0x3000] =	vst.add.f32.msk $0xffff, v7  }
0x73: {  	s12 =	simm.s32 $0x0;
	s15 =	sadd.s32 $0x400, s15;
	[tilespmem:s25+$0x3060] =	vst.add.f32.msk $0xffff, v1  }
.LBB2_8:
0x74: {  	v1 =	vld.idx.msk [tilespmem:v0+s15+$0x30 ss:$0x1], $0xffff;
	s12 =	sadd.s32 $0x80, s12  }
0x75: {  	v2 =	vld.idx.msk [tilespmem:v0+s15+$0xFFFFFFD0 ss:$0x1], $0xffff;
	p1 =	slt.u32 s12, $0x280  }
0x76: {  	v3 =	vld.idx.msk [tilespmem:v0+s15+$0xFFFFFFE0 ss:$0x1], $0xffff  }
0x77: {  	v4 =	vld.idx.msk [tilespmem:v0+s15+$0xFFFFFFF0 ss:$0x1], $0xffff  }
0x78: {  	s3 =	sadd.s32 $0x400, s3;
	v5 =	vld.idx.msk [tilespmem:v0+s15+$0x0 ss:$0x1], $0xffff  }
0x79: {  	s25 =	sadd.s32 s16, s3;
	v6 =	vld.idx.msk [tilespmem:v0+s15+$0x10 ss:$0x1], $0xffff  }
0x7a: {  	[tilespmem:s25+$0x3070] =	vst.add.f32.msk $0xffff, v1  }
0x7b: {  	v1 =	vld.idx.msk [tilespmem:v0+s15+$0x20 ss:$0x1], $0xffff  }
0x7c: {  	v7 =	vld.idx.msk [tilespmem:v0+s15+$0xFFFFFFC0 ss:$0x1], $0xffff  }
0x7d: {  	[tilespmem:s25+$0x3010] =	vst.add.f32.msk $0xffff, v2  }
0x7e: {  	[tilespmem:s25+$0x3020] =	vst.add.f32.msk $0xffff, v3  }
.Ltmp2:
0x7f: {  	[tilespmem:s25+$0x3030] =	vst.add.f32.msk $0xffff, v4;
	(pc) =	sbr.rel @p1 .LBB2_8-.Ltmp2, $4  }
0x80: {  	[tilespmem:s25+$0x3040] =	vst.add.f32.msk $0xffff, v5  }
0x81: {  	[tilespmem:s25+$0x3050] =	vst.add.f32.msk $0xffff, v6  }
0x82: {  	[tilespmem:s25+$0x3000] =	vst.add.f32.msk $0xffff, v7  }
0x83: {  	s15 =	sadd.s32 $0x400, s15;
	[tilespmem:s25+$0x3060] =	vst.add.f32.msk $0xffff, v1  }
0x84: {  	s30 =	sadd.s32 $0x1, s30  }
0x85: {  	p1 =	sne.s32 s30, $0x10  }
.Ltmp3:
0x86: {  	_ = 	snop;
	(pc) =	sbr.rel @p1 .LBB2_7-.Ltmp3, $2  }
0x87: {  	_ =	sdelay $0x2  }
0x88: {  	s13 =	sadd.s32 $0x1, s13  }
0x89: {  	s3 =	sadd.s32 s4, s7;
	s25 =	sor.u32 s11, s14  }
0x8a: {  	[hbm4b:s3+s6] =	stream.linear.scatter [tilespmem:s17], [sflag:$0x8], $0x3000, $0x38;
	[tilespmem:$0x12000] =	vst v63  }
0x8b: {  	s12 =	simm.s32 @!p0 $0xA;
	s3 =	sshrl.u32 s25, $0x3  }
0x8c: {  	_ =	swait.ge @!p0 [sflag:s12], $0x3000;
	s7 =	smul.u32 $0x300, s3  }
0x8d: {  	[sflag:s12] =	ssyncset.done @!p0 $0x0  }
0x8e: {  	s13 =	simm.s32 $0x0;
	[sflag:s12] =	ssyncadd.s32 @!p0 $0xFFFFD000;
	s3 =	sadd.s32 s1, s7  }
0x8f: {  	[tilespmem:s21], [sflag:$0x4] =	stream.linear.gather [hbm4b:s3+s13], $0x3000, $0x38;
	[tilespmem:$0x12000] =	vst v63  }
0x90: {  	_ =	swait.ge [sflag:s22], $0x3000  }
0x91: {  	[sflag:s22] =	ssyncset.done $0x0  }
0x92: {  	s30 =	simm.s32 $0x0;
	[sflag:s22] =	ssyncadd.s32 $0xFFFFD000  }
.LBB2_11:
0x93: {  	s3 =	sand.u32 $0x7, s13  }
0x94: {  	s3 =	sshll.u32 s3, $0x9  }
0x95: {  	s16 =	sshrl.u32 s3, $0x2  }
0x96: {  	s25 =	sshrl.u32 s30, $0x3;
	v0 =	vmov s16  }
0x97: {  	s3 =	smul.u32 $0x6000, s25;
	_ =	sdelay $0x1  }
0x98: {  	s3 =	sshra.s32 s3, $0x2  }
0x99: {  	s15 =	sadd.s32 $0xC040, s3  }
0x9a: {  	v1 =	vld.idx.msk [tilespmem:v0+s15+$0x30 ss:$0x1], $0xffff  }
0x9b: {  	v2 =	vld.idx.msk [tilespmem:v0+s15+$0xFFFFFFD0 ss:$0x1], $0xffff  }
0x9c: {  	v3 =	vld.idx.msk [tilespmem:v0+s15+$0xFFFFFFE0 ss:$0x1], $0xffff  }
0x9d: {  	v4 =	vld.idx.msk [tilespmem:v0+s15+$0xFFFFFFF0 ss:$0x1], $0xffff  }
0x9e: {  	v5 =	vld.idx.msk [tilespmem:v0+s15+$0x0 ss:$0x1], $0xffff  }
0x9f: {  	v6 =	vld.idx.msk [tilespmem:v0+s15+$0x10 ss:$0x1], $0xffff  }
0xa0: {  	s25 =	sadd.s32 s16, s3;
	v7 =	vld.idx.msk [tilespmem:v0+s15+$0xFFFFFFC0 ss:$0x1], $0xffff  }
0xa1: {  	[tilespmem:s25+$0x6070] =	vst.add.f32.msk $0xffff, v1  }
0xa2: {  	v1 =	vld.idx.msk [tilespmem:v0+s15+$0x20 ss:$0x1], $0xffff  }
0xa3: {  	[tilespmem:s25+$0x6010] =	vst.add.f32.msk $0xffff, v2  }
0xa4: {  	[tilespmem:s25+$0x6020] =	vst.add.f32.msk $0xffff, v3  }
0xa5: {  	[tilespmem:s25+$0x6030] =	vst.add.f32.msk $0xffff, v4  }
0xa6: {  	[tilespmem:s25+$0x6040] =	vst.add.f32.msk $0xffff, v5  }
0xa7: {  	[tilespmem:s25+$0x6050] =	vst.add.f32.msk $0xffff, v6  }
0xa8: {  	[tilespmem:s25+$0x6000] =	vst.add.f32.msk $0xffff, v7  }
0xa9: {  	s12 =	simm.s32 $0x0;
	s15 =	sadd.s32 $0x400, s15;
	[tilespmem:s25+$0x6060] =	vst.add.f32.msk $0xffff, v1  }
.LBB2_12:
0xaa: {  	v1 =	vld.idx.msk [tilespmem:v0+s15+$0x30 ss:$0x1], $0xffff;
	s12 =	sadd.s32 $0x80, s12  }
0xab: {  	v2 =	vld.idx.msk [tilespmem:v0+s15+$0xFFFFFFD0 ss:$0x1], $0xffff;
	p0 =	slt.u32 s12, $0x280  }
0xac: {  	v3 =	vld.idx.msk [tilespmem:v0+s15+$0xFFFFFFE0 ss:$0x1], $0xffff  }
0xad: {  	v4 =	vld.idx.msk [tilespmem:v0+s15+$0xFFFFFFF0 ss:$0x1], $0xffff  }
0xae: {  	s3 =	sadd.s32 $0x400, s3;
	v5 =	vld.idx.msk [tilespmem:v0+s15+$0x0 ss:$0x1], $0xffff  }
0xaf: {  	s25 =	sadd.s32 s16, s3;
	v6 =	vld.idx.msk [tilespmem:v0+s15+$0x10 ss:$0x1], $0xffff  }
0xb0: {  	[tilespmem:s25+$0x6070] =	vst.add.f32.msk $0xffff, v1  }
0xb1: {  	v1 =	vld.idx.msk [tilespmem:v0+s15+$0x20 ss:$0x1], $0xffff  }
0xb2: {  	v7 =	vld.idx.msk [tilespmem:v0+s15+$0xFFFFFFC0 ss:$0x1], $0xffff  }
0xb3: {  	[tilespmem:s25+$0x6010] =	vst.add.f32.msk $0xffff, v2  }
0xb4: {  	[tilespmem:s25+$0x6020] =	vst.add.f32.msk $0xffff, v3  }
.Ltmp4:
0xb5: {  	[tilespmem:s25+$0x6030] =	vst.add.f32.msk $0xffff, v4;
	(pc) =	sbr.rel @p0 .LBB2_12-.Ltmp4, $4  }
0xb6: {  	[tilespmem:s25+$0x6040] =	vst.add.f32.msk $0xffff, v5  }
0xb7: {  	[tilespmem:s25+$0x6050] =	vst.add.f32.msk $0xffff, v6  }
0xb8: {  	[tilespmem:s25+$0x6000] =	vst.add.f32.msk $0xffff, v7  }
0xb9: {  	s15 =	sadd.s32 $0x400, s15;
	[tilespmem:s25+$0x6060] =	vst.add.f32.msk $0xffff, v1  }
0xba: {  	s30 =	sadd.s32 $0x1, s30  }
0xbb: {  	p0 =	sne.s32 s30, $0x10  }
.Ltmp5:
0xbc: {  	_ = 	snop;
	(pc) =	sbr.rel @p0 .LBB2_11-.Ltmp5, $2  }
0xbd: {  	_ =	sdelay $0x2  }
0xbe: {  	s13 =	sadd.s32 $0x1, s13  }
0xbf: {  	s3 =	sadd.s32 s4, s8;
	s8 =	simm.s32 $0x0  }
0xc0: {  	[hbm4b:s3+s8] =	stream.linear.scatter [tilespmem:s19], [sflag:$0x9], $0x3000, $0x38;
	[tilespmem:$0x12000] =	vst v63  }
0xc1: {  	_ =	swait.ge [sflag:s23], $0x3000  }
0xc2: {  	[sflag:s23] =	ssyncset.done $0x0  }
0xc3: {  	s25 =	sadd.s32 s1, s0;
	[sflag:s23] =	ssyncadd.s32 $0xFFFFD000  }
0xc4: {  	[tilespmem:s8], [sflag:$0x1] =	stream.linear.gather [hbm4b:s25+s8], $0x3000, $0x38;
	[tilespmem:$0x12000] =	vst v63  }
0xc5: {  	_ =	swait.ge [sflag:s24], $0x3000  }
0xc6: {  	[sflag:s24] =	ssyncset.done $0x0  }
0xc7: {  	s13 =	simm.s32 $0x0;
	s30 =	smov.u32 s26;
	[sflag:s24] =	ssyncadd.s32 $0xFFFFD000  }
.LBB2_15:
0xc8: {  	s3 =	sand.u32 $0x7, s8  }
0xc9: {  	s3 =	sshll.u32 s3, $0x9  }
0xca: {  	s16 =	sshrl.u32 s3, $0x2  }
0xcb: {  	s26 =	sshrl.u32 s13, $0x3;
	v0 =	vmov s16  }
0xcc: {  	s3 =	smul.u32 $0x6000, s26;
	_ =	sdelay $0x1  }
0xcd: {  	s3 =	sshra.s32 s3, $0x2  }
0xce: {  	s15 =	sadd.s32 $0xC040, s3  }
0xcf: {  	v1 =	vld.idx.msk [tilespmem:v0+s15+$0x30 ss:$0x1], $0xffff  }
0xd0: {  	v2 =	vld.idx.msk [tilespmem:v0+s15+$0xFFFFFFD0 ss:$0x1], $0xffff  }
0xd1: {  	v3 =	vld.idx.msk [tilespmem:v0+s15+$0xFFFFFFE0 ss:$0x1], $0xffff  }
0xd2: {  	v4 =	vld.idx.msk [tilespmem:v0+s15+$0xFFFFFFF0 ss:$0x1], $0xffff  }
0xd3: {  	v5 =	vld.idx.msk [tilespmem:v0+s15+$0x0 ss:$0x1], $0xffff  }
0xd4: {  	v6 =	vld.idx.msk [tilespmem:v0+s15+$0x10 ss:$0x1], $0xffff  }
0xd5: {  	s25 =	sadd.s32 s16, s3;
	v7 =	vld.idx.msk [tilespmem:v0+s15+$0xFFFFFFC0 ss:$0x1], $0xffff  }
0xd6: {  	[tilespmem:s25+$0x9070] =	vst.add.f32.msk $0xffff, v1  }
0xd7: {  	v1 =	vld.idx.msk [tilespmem:v0+s15+$0x20 ss:$0x1], $0xffff  }
0xd8: {  	[tilespmem:s25+$0x9010] =	vst.add.f32.msk $0xffff, v2  }
0xd9: {  	[tilespmem:s25+$0x9020] =	vst.add.f32.msk $0xffff, v3  }
0xda: {  	[tilespmem:s25+$0x9030] =	vst.add.f32.msk $0xffff, v4  }
0xdb: {  	[tilespmem:s25+$0x9040] =	vst.add.f32.msk $0xffff, v5  }
0xdc: {  	[tilespmem:s25+$0x9050] =	vst.add.f32.msk $0xffff, v6  }
0xdd: {  	[tilespmem:s25+$0x9000] =	vst.add.f32.msk $0xffff, v7  }
0xde: {  	s12 =	simm.s32 $0x0;
	s15 =	sadd.s32 $0x400, s15;
	[tilespmem:s25+$0x9060] =	vst.add.f32.msk $0xffff, v1  }
.LBB2_16:
0xdf: {  	v1 =	vld.idx.msk [tilespmem:v0+s15+$0x30 ss:$0x1], $0xffff;
	s12 =	sadd.s32 $0x80, s12  }
0xe0: {  	v2 =	vld.idx.msk [tilespmem:v0+s15+$0xFFFFFFD0 ss:$0x1], $0xffff;
	p0 =	slt.u32 s12, $0x280  }
0xe1: {  	v3 =	vld.idx.msk [tilespmem:v0+s15+$0xFFFFFFE0 ss:$0x1], $0xffff  }
0xe2: {  	v4 =	vld.idx.msk [tilespmem:v0+s15+$0xFFFFFFF0 ss:$0x1], $0xffff  }
0xe3: {  	s3 =	sadd.s32 $0x400, s3;
	v5 =	vld.idx.msk [tilespmem:v0+s15+$0x0 ss:$0x1], $0xffff  }
0xe4: {  	s25 =	sadd.s32 s16, s3;
	v6 =	vld.idx.msk [tilespmem:v0+s15+$0x10 ss:$0x1], $0xffff  }
0xe5: {  	[tilespmem:s25+$0x9070] =	vst.add.f32.msk $0xffff, v1  }
0xe6: {  	v1 =	vld.idx.msk [tilespmem:v0+s15+$0x20 ss:$0x1], $0xffff  }
0xe7: {  	v7 =	vld.idx.msk [tilespmem:v0+s15+$0xFFFFFFC0 ss:$0x1], $0xffff  }
0xe8: {  	[tilespmem:s25+$0x9010] =	vst.add.f32.msk $0xffff, v2  }
0xe9: {  	[tilespmem:s25+$0x9020] =	vst.add.f32.msk $0xffff, v3  }
.Ltmp6:
0xea: {  	[tilespmem:s25+$0x9030] =	vst.add.f32.msk $0xffff, v4;
	(pc) =	sbr.rel @p0 .LBB2_16-.Ltmp6, $4  }
0xeb: {  	[tilespmem:s25+$0x9040] =	vst.add.f32.msk $0xffff, v5  }
0xec: {  	[tilespmem:s25+$0x9050] =	vst.add.f32.msk $0xffff, v6  }
0xed: {  	[tilespmem:s25+$0x9000] =	vst.add.f32.msk $0xffff, v7  }
0xee: {  	s15 =	sadd.s32 $0x400, s15;
	[tilespmem:s25+$0x9060] =	vst.add.f32.msk $0xffff, v1  }
0xef: {  	s13 =	sadd.s32 $0x1, s13  }
0xf0: {  	p0 =	sne.s32 s13, $0x10  }
.Ltmp7:
0xf1: {  	_ = 	snop;
	(pc) =	sbr.rel @p0 .LBB2_15-.Ltmp7, $2  }
0xf2: {  	_ =	sdelay $0x2  }
0xf3: {  	s8 =	sadd.s32 $0x1, s8  }
0xf4: {  	s3 =	sadd.s32 s4, s7  }
0xf5: {  	[hbm4b:s3+s6] =	stream.linear.scatter [tilespmem:s21], [sflag:$0xA], $0x3000, $0x38;
	[tilespmem:$0x12000] =	vst v63  }
0xf6: {  	p0 =	seq.s32 s31, $0x7;
	s3 =	rddreg [dreg:$0x6]  }
0xf7: {  	s3 =	sadd.s32 @!p0 s14, s3  }
0xf8: {  	s16 =	simm.s32 $0x6;
	s3 =	sshrl.u32 @!p0 s3, $0x3  }
0xf9: {  	_ =	swait.ge [sflag:s16], $0x3000;
	s14 =	smul.u32 @!p0 $0x300, s3  }
0xfa: {  	s25 =	sor.u32 s9, s2;
	s7 =	simm.s32 @!p0 $0x0;
	[sflag:s16] =	ssyncset.done $0x0  }
0xfb: {  	s8 =	simm.s32 @!p0 $0xC000;
	[sflag:s16] =	ssyncadd.s32 $0xFFFFD000;
	s3 =	sadd.s32 @!p0 s30, s14  }
0xfc: {  	[tilespmem:s8], [sflag:$0x5] =	stream.linear.gather @!p0 [hbm4b:s3+s7], $0x3000, $0x38;
	[tilespmem:$0x12000] =	vst v63  }
0xfd: {  	s26 =	simm.s32 $0x8;
	s3 =	sshrl.u32 s25, $0x3  }
0xfe: {  	_ =	swait.ge [sflag:s26], $0x3000;
	s7 =	smul.u32 $0x300, s3  }
0xff: {  	[sflag:s26] =	ssyncset.done $0x0  }
0x100: {  	s8 =	simm.s32 $0x0;
	[sflag:s26] =	ssyncadd.s32 $0xFFFFD000;
	s3 =	sadd.s32 s1, s7  }
0x101: {  	[tilespmem:s17], [sflag:$0x2] =	stream.linear.gather [hbm4b:s3+s8], $0x3000, $0x38;
	[tilespmem:$0x12000] =	vst v63  }
0x102: {  	_ =	swait.ge [sflag:s18], $0x3000  }
0x103: {  	[sflag:s18] =	ssyncset.done $0x0  }
0x104: {  	s13 =	simm.s32 $0x0;
	[sflag:s18] =	ssyncadd.s32 $0xFFFFD000  }
.LBB2_19:
0x105: {  	s3 =	sand.u32 $0x7, s8  }
0x106: {  	s3 =	sshll.u32 s3, $0x9  }
0x107: {  	s16 =	sshrl.u32 s3, $0x2  }
0x108: {  	s26 =	sshrl.u32 s13, $0x3;
	v0 =	vmov s16  }
0x109: {  	s3 =	smul.u32 $0x6000, s26;
	_ =	sdelay $0x1  }
0x10a: {  	s3 =	sshra.s32 s3, $0x2  }
0x10b: {  	s15 =	sadd.s32 $0xF070, s3  }
0x10c: {  	v1 =	vld.idx.msk [tilespmem:v0+s15+$0x0 ss:$0x1], $0xffff  }
0x10d: {  	v2 =	vld.idx.msk [tilespmem:v0+s15+$0xFFFFFFA0 ss:$0x1], $0xffff  }
0x10e: {  	v3 =	vld.idx.msk [tilespmem:v0+s15+$0xFFFFFFB0 ss:$0x1], $0xffff  }
0x10f: {  	v4 =	vld.idx.msk [tilespmem:v0+s15+$0xFFFFFFC0 ss:$0x1], $0xffff  }
0x110: {  	v5 =	vld.idx.msk [tilespmem:v0+s15+$0xFFFFFFD0 ss:$0x1], $0xffff  }
0x111: {  	v6 =	vld.idx.msk [tilespmem:v0+s15+$0xFFFFFFE0 ss:$0x1], $0xffff  }
0x112: {  	s25 =	sadd.s32 s16, s3;
	v7 =	vld.idx.msk [tilespmem:v0+s15+$0xFFFFFF90 ss:$0x1], $0xffff  }
0x113: {  	[tilespmem:s25+$0x70] =	vst.add.f32.msk $0xffff, v1  }
0x114: {  	v1 =	vld.idx.msk [tilespmem:v0+s15+$0xFFFFFFF0 ss:$0x1], $0xffff  }
0x115: {  	[tilespmem:s25+$0x10] =	vst.add.f32.msk $0xffff, v2  }
0x116: {  	[tilespmem:s25+$0x20] =	vst.add.f32.msk $0xffff, v3  }
0x117: {  	[tilespmem:s25+$0x30] =	vst.add.f32.msk $0xffff, v4  }
0x118: {  	[tilespmem:s25+$0x40] =	vst.add.f32.msk $0xffff, v5  }
0x119: {  	[tilespmem:s25+$0x50] =	vst.add.f32.msk $0xffff, v6  }
0x11a: {  	[tilespmem:s25+$0x0] =	vst.add.f32.msk $0xffff, v7  }
0x11b: {  	s12 =	simm.s32 $0x0;
	s15 =	sadd.s32 $0x400, s15;
	[tilespmem:s25+$0x60] =	vst.add.f32.msk $0xffff, v1  }
.LBB2_20:
0x11c: {  	v1 =	vld.idx.msk [tilespmem:v0+s15+$0x0 ss:$0x1], $0xffff;
	s12 =	sadd.s32 $0x80, s12  }
0x11d: {  	v2 =	vld.idx.msk [tilespmem:v0+s15+$0xFFFFFFA0 ss:$0x1], $0xffff;
	p1 =	slt.u32 s12, $0x280  }
0x11e: {  	v3 =	vld.idx.msk [tilespmem:v0+s15+$0xFFFFFFB0 ss:$0x1], $0xffff  }
0x11f: {  	v4 =	vld.idx.msk [tilespmem:v0+s15+$0xFFFFFFC0 ss:$0x1], $0xffff  }
0x120: {  	s3 =	sadd.s32 $0x400, s3;
	v5 =	vld.idx.msk [tilespmem:v0+s15+$0xFFFFFFD0 ss:$0x1], $0xffff  }
0x121: {  	s25 =	sadd.s32 s16, s3;
	v6 =	vld.idx.msk [tilespmem:v0+s15+$0xFFFFFFE0 ss:$0x1], $0xffff  }
0x122: {  	[tilespmem:s25+$0x70] =	vst.add.f32.msk $0xffff, v1  }
0x123: {  	v1 =	vld.idx.msk [tilespmem:v0+s15+$0xFFFFFFF0 ss:$0x1], $0xffff  }
0x124: {  	v7 =	vld.idx.msk [tilespmem:v0+s15+$0xFFFFFF90 ss:$0x1], $0xffff  }
0x125: {  	[tilespmem:s25+$0x10] =	vst.add.f32.msk $0xffff, v2  }
0x126: {  	[tilespmem:s25+$0x20] =	vst.add.f32.msk $0xffff, v3  }
.Ltmp8:
0x127: {  	[tilespmem:s25+$0x30] =	vst.add.f32.msk $0xffff, v4;
	(pc) =	sbr.rel @p1 .LBB2_20-.Ltmp8, $4  }
0x128: {  	[tilespmem:s25+$0x40] =	vst.add.f32.msk $0xffff, v5  }
0x129: {  	[tilespmem:s25+$0x50] =	vst.add.f32.msk $0xffff, v6  }
0x12a: {  	[tilespmem:s25+$0x0] =	vst.add.f32.msk $0xffff, v7  }
0x12b: {  	s15 =	sadd.s32 $0x400, s15;
	[tilespmem:s25+$0x60] =	vst.add.f32.msk $0xffff, v1  }
0x12c: {  	s13 =	sadd.s32 $0x1, s13  }
0x12d: {  	p1 =	sne.s32 s13, $0x10  }
.Ltmp9:
0x12e: {  	_ = 	snop;
	(pc) =	sbr.rel @p1 .LBB2_19-.Ltmp9, $2  }
0x12f: {  	_ =	sdelay $0x2  }
0x130: {  	s8 =	sadd.s32 $0x1, s8  }
0x131: {  	s0 =	sadd.s32 s4, s0;
	s8 =	simm.s32 $0x0;
	s26 =	sor.u32 s10, s2  }
0x132: {  	[hbm4b:s0+s8] =	stream.linear.scatter [tilespmem:s8], [sflag:$0x7], $0x3000, $0x38;
	[tilespmem:$0x12000] =	vst v63  }
0x133: {  	s0 =	sshrl.u32 s26, $0x3  }
0x134: {  	_ =	swait.ge [sflag:s28], $0x3000;
	s0 =	smul.u32 $0x300, s0  }
0x135: {  	[sflag:s28] =	ssyncset.done $0x0  }
0x136: {  	[sflag:s28] =	ssyncadd.s32 $0xFFFFD000;
	s3 =	sadd.s32 s1, s0  }
0x137: {  	[tilespmem:s19], [sflag:$0x3] =	stream.linear.gather [hbm4b:s3+s8], $0x3000, $0x38;
	[tilespmem:$0x12000] =	vst v63  }
0x138: {  	_ =	swait.ge [sflag:s20], $0x3000  }
0x139: {  	[sflag:s20] =	ssyncset.done $0x0  }
0x13a: {  	s13 =	simm.s32 $0x0;
	[sflag:s20] =	ssyncadd.s32 $0xFFFFD000  }
.LBB2_23:
0x13b: {  	s3 =	sand.u32 $0x7, s8  }
0x13c: {  	s3 =	sshll.u32 s3, $0x9  }
0x13d: {  	s16 =	sshrl.u32 s3, $0x2  }
0x13e: {  	s26 =	sshrl.u32 s13, $0x3;
	v0 =	vmov s16  }
0x13f: {  	s3 =	smul.u32 $0x6000, s26;
	_ =	sdelay $0x1  }
0x140: {  	s3 =	sshra.s32 s3, $0x2  }
0x141: {  	s15 =	sadd.s32 $0xF070, s3  }
0x142: {  	v1 =	vld.idx.msk [tilespmem:v0+s15+$0x0 ss:$0x1], $0xffff  }
0x143: {  	v2 =	vld.idx.msk [tilespmem:v0+s15+$0xFFFFFFA0 ss:$0x1], $0xffff  }
0x144: {  	v3 =	vld.idx.msk [tilespmem:v0+s15+$0xFFFFFFB0 ss:$0x1], $0xffff  }
0x145: {  	v4 =	vld.idx.msk [tilespmem:v0+s15+$0xFFFFFFC0 ss:$0x1], $0xffff  }
0x146: {  	v5 =	vld.idx.msk [tilespmem:v0+s15+$0xFFFFFFD0 ss:$0x1], $0xffff  }
0x147: {  	v6 =	vld.idx.msk [tilespmem:v0+s15+$0xFFFFFFE0 ss:$0x1], $0xffff  }
0x148: {  	s25 =	sadd.s32 s16, s3;
	v7 =	vld.idx.msk [tilespmem:v0+s15+$0xFFFFFF90 ss:$0x1], $0xffff  }
0x149: {  	[tilespmem:s25+$0x3070] =	vst.add.f32.msk $0xffff, v1  }
0x14a: {  	v1 =	vld.idx.msk [tilespmem:v0+s15+$0xFFFFFFF0 ss:$0x1], $0xffff  }
0x14b: {  	[tilespmem:s25+$0x3010] =	vst.add.f32.msk $0xffff, v2  }
0x14c: {  	[tilespmem:s25+$0x3020] =	vst.add.f32.msk $0xffff, v3  }
0x14d: {  	[tilespmem:s25+$0x3030] =	vst.add.f32.msk $0xffff, v4  }
0x14e: {  	[tilespmem:s25+$0x3040] =	vst.add.f32.msk $0xffff, v5  }
0x14f: {  	[tilespmem:s25+$0x3050] =	vst.add.f32.msk $0xffff, v6  }
0x150: {  	[tilespmem:s25+$0x3000] =	vst.add.f32.msk $0xffff, v7  }
0x151: {  	s12 =	simm.s32 $0x0;
	s15 =	sadd.s32 $0x400, s15;
	[tilespmem:s25+$0x3060] =	vst.add.f32.msk $0xffff, v1  }
.LBB2_24:
0x152: {  	v1 =	vld.idx.msk [tilespmem:v0+s15+$0x0 ss:$0x1], $0xffff;
	s12 =	sadd.s32 $0x80, s12  }
0x153: {  	v2 =	vld.idx.msk [tilespmem:v0+s15+$0xFFFFFFA0 ss:$0x1], $0xffff;
	p1 =	slt.u32 s12, $0x280  }
0x154: {  	v3 =	vld.idx.msk [tilespmem:v0+s15+$0xFFFFFFB0 ss:$0x1], $0xffff  }
0x155: {  	v4 =	vld.idx.msk [tilespmem:v0+s15+$0xFFFFFFC0 ss:$0x1], $0xffff  }
0x156: {  	s3 =	sadd.s32 $0x400, s3;
	v5 =	vld.idx.msk [tilespmem:v0+s15+$0xFFFFFFD0 ss:$0x1], $0xffff  }
0x157: {  	s25 =	sadd.s32 s16, s3;
	v6 =	vld.idx.msk [tilespmem:v0+s15+$0xFFFFFFE0 ss:$0x1], $0xffff  }
0x158: {  	[tilespmem:s25+$0x3070] =	vst.add.f32.msk $0xffff, v1  }
0x159: {  	v1 =	vld.idx.msk [tilespmem:v0+s15+$0xFFFFFFF0 ss:$0x1], $0xffff  }
0x15a: {  	v7 =	vld.idx.msk [tilespmem:v0+s15+$0xFFFFFF90 ss:$0x1], $0xffff  }
0x15b: {  	[tilespmem:s25+$0x3010] =	vst.add.f32.msk $0xffff, v2  }
0x15c: {  	[tilespmem:s25+$0x3020] =	vst.add.f32.msk $0xffff, v3  }
.Ltmp10:
0x15d: {  	[tilespmem:s25+$0x3030] =	vst.add.f32.msk $0xffff, v4;
	(pc) =	sbr.rel @p1 .LBB2_24-.Ltmp10, $4  }
0x15e: {  	[tilespmem:s25+$0x3040] =	vst.add.f32.msk $0xffff, v5  }
0x15f: {  	[tilespmem:s25+$0x3050] =	vst.add.f32.msk $0xffff, v6  }
0x160: {  	[tilespmem:s25+$0x3000] =	vst.add.f32.msk $0xffff, v7  }
0x161: {  	s15 =	sadd.s32 $0x400, s15;
	[tilespmem:s25+$0x3060] =	vst.add.f32.msk $0xffff, v1  }
0x162: {  	s13 =	sadd.s32 $0x1, s13  }
0x163: {  	p1 =	sne.s32 s13, $0x10  }
.Ltmp11:
0x164: {  	_ = 	snop;
	(pc) =	sbr.rel @p1 .LBB2_23-.Ltmp11, $2  }
0x165: {  	_ =	sdelay $0x2  }
0x166: {  	s8 =	sadd.s32 $0x1, s8  }
0x167: {  	s3 =	sadd.s32 s4, s7;
	s7 =	simm.s32 $0x0;
	s2 =	sor.u32 s11, s2  }
0x168: {  	[hbm4b:s3+s7] =	stream.linear.scatter [tilespmem:s17], [sflag:$0x8], $0x3000, $0x38;
	[tilespmem:$0x12000] =	vst v63  }
0x169: {  	s2 =	sshrl.u32 s2, $0x3  }
0x16a: {  	_ =	swait.ge [sflag:s29], $0x3000;
	s2 =	smul.u32 $0x300, s2  }
0x16b: {  	[sflag:s29] =	ssyncset.done $0x0  }
0x16c: {  	[sflag:s29] =	ssyncadd.s32 $0xFFFFD000;
	s26 =	sadd.s32 s1, s2  }
0x16d: {  	[tilespmem:s21], [sflag:$0x4] =	stream.linear.gather [hbm4b:s26+s7], $0x3000, $0x38;
	[tilespmem:$0x12000] =	vst v63  }
0x16e: {  	_ =	swait.ge [sflag:s22], $0x3000  }
0x16f: {  	[sflag:s22] =	ssyncset.done $0x0  }
0x170: {  	s8 =	simm.s32 $0x0;
	[sflag:s22] =	ssyncadd.s32 $0xFFFFD000  }
.LBB2_27:
0x171: {  	s3 =	sand.u32 $0x7, s7  }
0x172: {  	s3 =	sshll.u32 s3, $0x9  }
0x173: {  	s13 =	sshrl.u32 s3, $0x2  }
0x174: {  	s26 =	sshrl.u32 s8, $0x3;
	v0 =	vmov s13  }
0x175: {  	s3 =	smul.u32 $0x6000, s26;
	_ =	sdelay $0x1  }
0x176: {  	s3 =	sshra.s32 s3, $0x2  }
0x177: {  	s15 =	sadd.s32 $0xF070, s3  }
0x178: {  	v1 =	vld.idx.msk [tilespmem:v0+s15+$0x0 ss:$0x1], $0xffff  }
0x179: {  	v2 =	vld.idx.msk [tilespmem:v0+s15+$0xFFFFFFA0 ss:$0x1], $0xffff  }
0x17a: {  	v3 =	vld.idx.msk [tilespmem:v0+s15+$0xFFFFFFB0 ss:$0x1], $0xffff  }
0x17b: {  	v4 =	vld.idx.msk [tilespmem:v0+s15+$0xFFFFFFC0 ss:$0x1], $0xffff  }
0x17c: {  	v5 =	vld.idx.msk [tilespmem:v0+s15+$0xFFFFFFD0 ss:$0x1], $0xffff  }
0x17d: {  	v6 =	vld.idx.msk [tilespmem:v0+s15+$0xFFFFFFE0 ss:$0x1], $0xffff  }
0x17e: {  	s16 =	sadd.s32 s13, s3;
	v7 =	vld.idx.msk [tilespmem:v0+s15+$0xFFFFFF90 ss:$0x1], $0xffff  }
0x17f: {  	[tilespmem:s16+$0x6070] =	vst.add.f32.msk $0xffff, v1  }
0x180: {  	v1 =	vld.idx.msk [tilespmem:v0+s15+$0xFFFFFFF0 ss:$0x1], $0xffff  }
0x181: {  	[tilespmem:s16+$0x6010] =	vst.add.f32.msk $0xffff, v2  }
0x182: {  	[tilespmem:s16+$0x6020] =	vst.add.f32.msk $0xffff, v3  }
0x183: {  	[tilespmem:s16+$0x6030] =	vst.add.f32.msk $0xffff, v4  }
0x184: {  	[tilespmem:s16+$0x6040] =	vst.add.f32.msk $0xffff, v5  }
0x185: {  	[tilespmem:s16+$0x6050] =	vst.add.f32.msk $0xffff, v6  }
0x186: {  	[tilespmem:s16+$0x6000] =	vst.add.f32.msk $0xffff, v7  }
0x187: {  	s12 =	simm.s32 $0x0;
	s15 =	sadd.s32 $0x400, s15;
	[tilespmem:s16+$0x6060] =	vst.add.f32.msk $0xffff, v1  }
.LBB2_28:
0x188: {  	v1 =	vld.idx.msk [tilespmem:v0+s15+$0x0 ss:$0x1], $0xffff;
	s12 =	sadd.s32 $0x80, s12  }
0x189: {  	v2 =	vld.idx.msk [tilespmem:v0+s15+$0xFFFFFFA0 ss:$0x1], $0xffff;
	p1 =	slt.u32 s12, $0x280  }
0x18a: {  	v3 =	vld.idx.msk [tilespmem:v0+s15+$0xFFFFFFB0 ss:$0x1], $0xffff  }
0x18b: {  	v4 =	vld.idx.msk [tilespmem:v0+s15+$0xFFFFFFC0 ss:$0x1], $0xffff  }
0x18c: {  	s3 =	sadd.s32 $0x400, s3;
	v5 =	vld.idx.msk [tilespmem:v0+s15+$0xFFFFFFD0 ss:$0x1], $0xffff  }
0x18d: {  	s16 =	sadd.s32 s13, s3;
	v6 =	vld.idx.msk [tilespmem:v0+s15+$0xFFFFFFE0 ss:$0x1], $0xffff  }
0x18e: {  	[tilespmem:s16+$0x6070] =	vst.add.f32.msk $0xffff, v1  }
0x18f: {  	v1 =	vld.idx.msk [tilespmem:v0+s15+$0xFFFFFFF0 ss:$0x1], $0xffff  }
0x190: {  	v7 =	vld.idx.msk [tilespmem:v0+s15+$0xFFFFFF90 ss:$0x1], $0xffff  }
0x191: {  	[tilespmem:s16+$0x6010] =	vst.add.f32.msk $0xffff, v2  }
0x192: {  	[tilespmem:s16+$0x6020] =	vst.add.f32.msk $0xffff, v3  }
.Ltmp12:
0x193: {  	[tilespmem:s16+$0x6030] =	vst.add.f32.msk $0xffff, v4;
	(pc) =	sbr.rel @p1 .LBB2_28-.Ltmp12, $4  }
0x194: {  	[tilespmem:s16+$0x6040] =	vst.add.f32.msk $0xffff, v5  }
0x195: {  	[tilespmem:s16+$0x6050] =	vst.add.f32.msk $0xffff, v6  }
0x196: {  	[tilespmem:s16+$0x6000] =	vst.add.f32.msk $0xffff, v7  }
0x197: {  	s15 =	sadd.s32 $0x400, s15;
	[tilespmem:s16+$0x6060] =	vst.add.f32.msk $0xffff, v1  }
0x198: {  	s8 =	sadd.s32 $0x1, s8  }
0x199: {  	p1 =	sne.s32 s8, $0x10  }
.Ltmp13:
0x19a: {  	_ = 	snop;
	(pc) =	sbr.rel @p1 .LBB2_27-.Ltmp13, $2  }
0x19b: {  	_ =	sdelay $0x2  }
0x19c: {  	s7 =	sadd.s32 $0x1, s7  }
0x19d: {  	s0 =	sadd.s32 s4, s0  }
0x19e: {  	[hbm4b:s0+s6] =	stream.linear.scatter [tilespmem:s19], [sflag:$0x9], $0x3000, $0x38;
	[tilespmem:$0x12000] =	vst v63  }
0x19f: {  	_ =	swait.ge [sflag:s23], $0x3000  }
0x1a0: {  	[sflag:s23] =	ssyncset.done $0x0  }
0x1a1: {  	s3 =	simm.s32 @!p0 $0x0;
	s0 =	sadd.s32 @!p0 s1, s14;
	[sflag:s23] =	ssyncadd.s32 $0xFFFFD000  }
0x1a2: {  	[tilespmem:s3], [sflag:$0x1] =	stream.linear.gather @!p0 [hbm4b:s0+s3], $0x3000, $0x38;
	[tilespmem:$0x12000] =	vst v63  }
0x1a3: {  	_ =	swait.ge [sflag:s24], $0x3000  }
0x1a4: {  	[sflag:s24] =	ssyncset.done $0x0  }
0x1a5: {  	s7 =	simm.s32 $0x0;
	s0 =	simm.s32 $0x0;
	[sflag:s24] =	ssyncadd.s32 $0xFFFFD000  }
.LBB2_31:
0x1a6: {  	s3 =	sand.u32 $0x7, s0  }
0x1a7: {  	s3 =	sshll.u32 s3, $0x9  }
0x1a8: {  	s8 =	sshrl.u32 s3, $0x2  }
0x1a9: {  	s26 =	sshrl.u32 s7, $0x3;
	v0 =	vmov s8  }
0x1aa: {  	s3 =	smul.u32 $0x6000, s26;
	_ =	sdelay $0x1  }
0x1ab: {  	s3 =	sshra.s32 s3, $0x2  }
0x1ac: {  	s13 =	sadd.s32 $0xF070, s3  }
0x1ad: {  	v1 =	vld.idx.msk [tilespmem:v0+s13+$0x0 ss:$0x1], $0xffff  }
0x1ae: {  	v2 =	vld.idx.msk [tilespmem:v0+s13+$0xFFFFFFA0 ss:$0x1], $0xffff  }
0x1af: {  	v3 =	vld.idx.msk [tilespmem:v0+s13+$0xFFFFFFB0 ss:$0x1], $0xffff  }
0x1b0: {  	v4 =	vld.idx.msk [tilespmem:v0+s13+$0xFFFFFFC0 ss:$0x1], $0xffff  }
0x1b1: {  	v5 =	vld.idx.msk [tilespmem:v0+s13+$0xFFFFFFD0 ss:$0x1], $0xffff  }
0x1b2: {  	v6 =	vld.idx.msk [tilespmem:v0+s13+$0xFFFFFFE0 ss:$0x1], $0xffff  }
0x1b3: {  	s14 =	sadd.s32 s8, s3;
	v7 =	vld.idx.msk [tilespmem:v0+s13+$0xFFFFFF90 ss:$0x1], $0xffff  }
0x1b4: {  	[tilespmem:s14+$0x9070] =	vst.add.f32.msk $0xffff, v1  }
0x1b5: {  	v1 =	vld.idx.msk [tilespmem:v0+s13+$0xFFFFFFF0 ss:$0x1], $0xffff  }
0x1b6: {  	[tilespmem:s14+$0x9010] =	vst.add.f32.msk $0xffff, v2  }
0x1b7: {  	[tilespmem:s14+$0x9020] =	vst.add.f32.msk $0xffff, v3  }
0x1b8: {  	[tilespmem:s14+$0x9030] =	vst.add.f32.msk $0xffff, v4  }
0x1b9: {  	[tilespmem:s14+$0x9040] =	vst.add.f32.msk $0xffff, v5  }
0x1ba: {  	[tilespmem:s14+$0x9050] =	vst.add.f32.msk $0xffff, v6  }
0x1bb: {  	[tilespmem:s14+$0x9000] =	vst.add.f32.msk $0xffff, v7  }
0x1bc: {  	s12 =	simm.s32 $0x0;
	s13 =	sadd.s32 $0x400, s13;
	[tilespmem:s14+$0x9060] =	vst.add.f32.msk $0xffff, v1  }
.LBB2_32:
0x1bd: {  	v1 =	vld.idx.msk [tilespmem:v0+s13+$0x0 ss:$0x1], $0xffff;
	s12 =	sadd.s32 $0x80, s12  }
0x1be: {  	v2 =	vld.idx.msk [tilespmem:v0+s13+$0xFFFFFFA0 ss:$0x1], $0xffff;
	p0 =	slt.u32 s12, $0x280  }
0x1bf: {  	v3 =	vld.idx.msk [tilespmem:v0+s13+$0xFFFFFFB0 ss:$0x1], $0xffff  }
0x1c0: {  	v4 =	vld.idx.msk [tilespmem:v0+s13+$0xFFFFFFC0 ss:$0x1], $0xffff  }
0x1c1: {  	s3 =	sadd.s32 $0x400, s3;
	v5 =	vld.idx.msk [tilespmem:v0+s13+$0xFFFFFFD0 ss:$0x1], $0xffff  }
0x1c2: {  	s14 =	sadd.s32 s8, s3;
	v6 =	vld.idx.msk [tilespmem:v0+s13+$0xFFFFFFE0 ss:$0x1], $0xffff  }
0x1c3: {  	[tilespmem:s14+$0x9070] =	vst.add.f32.msk $0xffff, v1  }
0x1c4: {  	v1 =	vld.idx.msk [tilespmem:v0+s13+$0xFFFFFFF0 ss:$0x1], $0xffff  }
0x1c5: {  	v7 =	vld.idx.msk [tilespmem:v0+s13+$0xFFFFFF90 ss:$0x1], $0xffff  }
0x1c6: {  	[tilespmem:s14+$0x9010] =	vst.add.f32.msk $0xffff, v2  }
0x1c7: {  	[tilespmem:s14+$0x9020] =	vst.add.f32.msk $0xffff, v3  }
.Ltmp14:
0x1c8: {  	[tilespmem:s14+$0x9030] =	vst.add.f32.msk $0xffff, v4;
	(pc) =	sbr.rel @p0 .LBB2_32-.Ltmp14, $4  }
0x1c9: {  	[tilespmem:s14+$0x9040] =	vst.add.f32.msk $0xffff, v5  }
0x1ca: {  	[tilespmem:s14+$0x9050] =	vst.add.f32.msk $0xffff, v6  }
0x1cb: {  	[tilespmem:s14+$0x9000] =	vst.add.f32.msk $0xffff, v7  }
0x1cc: {  	s13 =	sadd.s32 $0x400, s13;
	[tilespmem:s14+$0x9060] =	vst.add.f32.msk $0xffff, v1  }
0x1cd: {  	s7 =	sadd.s32 $0x1, s7  }
0x1ce: {  	p0 =	sne.s32 s7, $0x10  }
.Ltmp15:
0x1cf: {  	_ = 	snop;
	(pc) =	sbr.rel @p0 .LBB2_31-.Ltmp15, $2  }
0x1d0: {  	_ =	sdelay $0x2  }
0x1d1: {  	s0 =	sadd.s32 $0x1, s0  }
0x1d2: {  	s31 =	sadd.s32 $0x1, s31  }
0x1d3: {  	p0 =	sne.s32 s31, $0x8  }
.Ltmp16:
0x1d4: {  	_ = 	snop;
	(pc) =	sbr.rel @p0 .LBB2_2-.Ltmp16, $3  }
0x1d5: {  	_ =	sdelay $0x1  }
0x1d6: {  	s0 =	sadd.s32 s4, s2  }
0x1d7: {  	[hbm4b:s0+s6] =	stream.linear.scatter [tilespmem:s21], [sflag:$0xA], $0x3000, $0x38;
	[tilespmem:$0x12000] =	vst v63  }
0x1d8: {  	s0 =	simm.s32 $0x8  }
0x1d9: {  	_ =	swait.ge [sflag:s0], $0x3000  }
0x1da: {  	[sflag:s0] =	ssyncset.done $0x0  }
0x1db: {  	[sflag:s0] =	ssyncadd.s32 $0xFFFFD000  }
0x1dc: {  	_ =	swait.ge [sflag:s28], $0x3000  }
0x1dd: {  	[sflag:s28] =	ssyncset.done $0x0  }
0x1de: {  	[sflag:s28] =	ssyncadd.s32 $0xFFFFD000  }
0x1df: {  	_ =	swait.ge [sflag:s29], $0x3000  }
0x1e0: {  	s2 =	rddreg [dreg:$0x8]  }
0x1e1: {  	s31 =	rddreg [dreg:$0x7];
	s2 =	sadd.s32 $0x1, s2  }
0x1e2: {  	p0 =	sne.s32 s2, s31  }
.Ltmp17:
0x1e3: {  	_ = 	snop;
	(pc) =	sbr.rel @p0 .LBB2_1-.Ltmp17, $3  }
0x1e4: {  	_ =	sdelay $0x1  }
0x1e5: {  	[sflag:s29] =	ssyncset.done $0x0  }
0x1e6: {  	[sflag:s29] =	ssyncadd.s32 $0xFFFFD000  }
0x1e7: {  	_ =	sfence.sel $0x180000  }
0x1e8: {  	[bflag:$0x0] =	sbarrier.arrive $0xFFFF  }
0x1e9: {  	_ =	strace $0x90000047  }
0x1ea: {  	s0 =	stileid.u32;
	[bflag:$0x2] =	sbarrier.arrive $0xFFFF  }
0x1eb: {  	p0 =	sne.s32 s0, $0x0;
	s0 =	rddreg [dreg:$0x3]  }
0x1ec: {  	s0 =	sadd.s32 @!p0 $0x100000, s0  }
0x1ed: {  	[sflag:s0] =	ssyncadd.tile.s32 @!p0 $0x1;
	_ =	shalt  }
.Lfunc_end2:
_tile_overlayer_lowered:
.L_overlay_start_2:
0x1ee: {  	(tag) =	ssettag $0x2  }
0x1ef: {  	s0 =	rddreg [dreg:$0x0];
	s2 =	stileid.u32  }
0x1f0: {  	s1 =	rddreg [dreg:$0x1];
	p0 =	sne.s32 s2, $0x0  }
0x1f1: {  	s3 =	rddreg [dreg:$0x2];
	[bflag:$0x3] =	sbarrier.arrive $0xFFFF;
	s2 =	simm.s32 @!p0 $0x1C0B  }
0x1f2: {  	[timem:s3], [sflag:s2] =	dma.local @!p0 [hbm:s0], s1  }
0x1f3: {  	s0 =	simm.s32 @!p0 $0xB  }
0x1f4: {  	_ =	swait.ge @!p0 [sflag:s0], s1  }
0x1f5: {  	s1 =	ssub.s32 @!p0 $0x0, s1;
	[sflag:s0] =	ssyncset.done @!p0 $0x0  }
0x1f6: {  	[sflag:s0] =	ssyncadd.s32 @!p0 s1  }
0x1f7: {  	[bflag:$0x3] =	sbarrier.arrive $0xFFFF  }
0x1f8: {  	_ =	shalt  }

</sc_bundles>
